<compile_context>
chip_gen: v7x
topology: tpu7x:2x2x1
jax: 0.10.2.dev20260603
libtpu: 0.0.44.dev20260713+nightly
codegen_flags: <defaults>
</compile_context>

<pallas_src>
import functools

import jax
import jax.numpy as jnp
from jax import lax
from jax.experimental import pallas as pl
from jax.experimental.pallas import tpu as pltpu
from jax.experimental.pallas import tpu_sc as plsc

B, T, V = 1024, 50, 1000
N = B * T
VP = 1024
NC, NS, L = 2, 16, 16
NW = NC * NS
ROWS_W = B // NW

_WINDOWS = ((0, 0), (16, 0), (32, 0), (34, 14))


def _m_body(tab_ref, out_ref):
    x = tab_ref[...]
    m = jnp.max(x, axis=1)
    lse = jnp.log(jnp.sum(jnp.exp(x - m[:, None]), axis=1)) + m
    out_ref[...] = lse[:, None] - x


def _loss_table(table):
    return pl.pallas_call(
        _m_body,
        out_shape=jax.ShapeDtypeStruct((V, V), jnp.float32),
    )(table)


def _gather_body(table_hbm, idx_hbm, out_hbm, idx_v, rows0, rows1,
                 sem0, sem1):
    wid = lax.axis_index("s") * NC + lax.axis_index("c")
    base = wid * ROWS_W

    pltpu.sync_copy(idx_hbm.at[pl.ds(base, ROWS_W)], idx_v)

    def gather_start(g, buf, sem):
        pltpu.make_async_copy(table_hbm.at[idx_v.at[g]], buf, sem).start()

    def do_chunk(g, buf, sem):
        pltpu.make_async_copy(table_hbm.at[idx_v.at[g]], buf, sem).wait()
        pltpu.sync_copy(buf, out_hbm.at[pl.ds((base + g) * T, T)])

    gather_start(0, rows0, sem0)

    def ring(i, carry):
        g0 = i * 2
        gather_start(g0 + 1, rows1, sem1)
        do_chunk(g0, rows0, sem0)

        @pl.when(g0 + 2 < ROWS_W)
        def _():
            gather_start(g0 + 2, rows0, sem0)

        do_chunk(g0 + 1, rows1, sem1)
        return carry

    lax.fori_loop(0, ROWS_W // 2, ring, 0)


_sc_gather = functools.partial(
    pl.kernel,
    out_type=jax.ShapeDtypeStruct((N, 8, 128), jnp.float32),
    mesh=plsc.VectorSubcoreMesh(core_axis_name="c", subcore_axis_name="s",
                                num_cores=NC, num_subcores=NS),
    compiler_params=pltpu.CompilerParams(use_tc_tiling_on_sc=True),
    scratch_types=[
        pltpu.VMEM((ROWS_W, T), jnp.int32),
        pltpu.VMEM((T, 8, 128), jnp.float32),
        pltpu.VMEM((T, 8, 128), jnp.float32),
        pltpu.SemaphoreType.DMA,
        pltpu.SemaphoreType.DMA,
    ],
)(_gather_body)


def _relayout_body(x_ref, out_ref):
    for c in range(8):
        blk = x_ref[:, 0, c, :]
        tr = jnp.swapaxes(blk, 0, 1)
        if c < 7:
            out_ref[0, pl.ds(c * 128, 128), :] = tr
        else:
            out_ref[0, pl.ds(896, V - 896), :] = tr[: V - 896, :]


def _relayout(x):
    x4 = x.reshape(B, T, 8, 128)
    return pl.pallas_call(
        _relayout_body,
        grid=(T,),
        in_specs=[pl.BlockSpec((B, 1, 8, 128), lambda t: (0, t, 0, 0))],
        out_specs=pl.BlockSpec((1, V, B), lambda t: (t, 0, 0)),
        out_shape=jax.ShapeDtypeStruct((T, V, B), jnp.float32),
    )(x4)


def _loss_body(m_hbm, idx_hbm, tgt_hbm, lpart_hbm,
               idx_v, tgt_v, flat_v, mval_v, acc_v, sem):
    wid = lax.axis_index("s") * NC + lax.axis_index("c")
    base = wid * ROWS_W

    pltpu.sync_copy(idx_hbm.at[pl.ds(base, ROWS_W)], idx_v)
    pltpu.sync_copy(tgt_hbm.at[pl.ds(base, ROWS_W)], tgt_v)

    def flatten(g, carry):
        for w, _ in _WINDOWS:
            rv = idx_v[g, pl.ds(w, L)]
            tv = tgt_v[g, pl.ds(w, L)]
            flat_v[g, pl.ds(w, L)] = rv * jnp.int32(V) + tv
        return carry

    lax.fori_loop(0, ROWS_W, flatten, 0)

    def fire(g, carry):
        pltpu.make_async_copy(m_hbm.at[flat_v.at[g]], mval_v.at[g], sem).start()
        return carry

    lax.fori_loop(0, ROWS_W, fire, 0)

    acc_v[...] = jnp.zeros((L,), jnp.float32)
    lane = lax.broadcasted_iota(jnp.int32, (L,), 0)

    def drain(g, carry):
        pltpu.make_async_copy(m_hbm.at[flat_v.at[g]], mval_v.at[g], sem).wait()
        for w, first in _WINDOWS:
            vals = mval_v[g, pl.ds(w, L)]
            if first:
                vals = jnp.where(lane >= jnp.int32(first), vals, 0.0)
            acc_v[...] = acc_v[...] + vals
        return carry

    lax.fori_loop(0, ROWS_W, drain, 0)

    pltpu.sync_copy(acc_v, lpart_hbm.at[wid])


_sc_loss = functools.partial(
    pl.kernel,
    out_type=jax.ShapeDtypeStruct((NW, L), jnp.float32),
    mesh=plsc.VectorSubcoreMesh(core_axis_name="c", subcore_axis_name="s",
                                num_cores=NC, num_subcores=NS),
    compiler_params=pltpu.CompilerParams(use_tc_tiling_on_sc=False),
    scratch_types=[
        pltpu.VMEM((ROWS_W, T), jnp.int32),
        pltpu.VMEM((ROWS_W, T), jnp.int32),
        pltpu.VMEM((ROWS_W, T), jnp.int32),
        pltpu.VMEM((ROWS_W, T), jnp.float32),
        pltpu.VMEM((L,), jnp.float32),
        pltpu.SemaphoreType.DMA,
    ],
)(_loss_body)


def kernel(idx, targets, table):
    table_pad = jnp.pad(table, ((0, 0), (0, VP - V))).reshape(V, 8, 128)
    x = _sc_gather(table_pad, idx)
    logits = jnp.transpose(_relayout(x), (2, 0, 1))
    m_flat = _loss_table(table).reshape(V * V)
    lpart = _sc_loss(m_flat, idx, targets)
    loss = jnp.sum(lpart) / jnp.float32(N)
    return (logits, loss)

# --- scband reference (transcript-rebuilt; emitter-appended) ---
"""Pipeline reference for scband-bigram-language-model-2516850835845 (READ-ONLY COPY).

The authoritative reference and input builder live on the scoring server;
editing this copy changes nothing except your own understanding.
"""

import jax, jax.numpy as jnp
import numpy as np

B, T, V = 1024, 50, 1000

def setup_inputs(seed: int = 0) -> dict:
    key = jax.random.key(seed)
    k1, k2, k3 = jax.random.split(key, 3)
    idx = jax.random.randint(k1, (B, T), 0, V, dtype=jnp.int32)
    targets = jax.random.randint(k2, (B, T), 0, V, dtype=jnp.int32)
    # nn.Embedding(vocab_size, vocab_size) weight, N(0,1) init like torch default
    table = jax.random.normal(k3, (V, V), dtype=jnp.float32)
    return {"idx": idx, "targets": targets, "table": table}

def reference(idx, targets, table):
    # logits = token_embedding_table(idx)
    logits = jnp.take(table, idx, axis=0)  # [B, T, V]
    Bs, Ts, Cs = logits.shape
    flat = logits.reshape(Bs * Ts, Cs)
    tgt = targets.reshape(Bs * Ts)
    # F.cross_entropy = mean over tokens of -log_softmax at target index
    logp = jax.nn.log_softmax(flat, axis=-1)
    picked = jnp.take_along_axis(logp, tgt[:, None], axis=1)[:, 0]
    loss = -jnp.mean(picked)
    return (logits, loss)

if __name__ == "__main__":
    import jax
    _d = setup_inputs()
    print(jax.jit(kernel)(*tuple(_d.values())))

</pallas_src>

<mosaic_0001>
#map = affine_map<(d0, d1) -> (0)>
#map1 = affine_map<(d0, d1) -> (0, 0)>
module attributes {stable_mosaic.version = 14 : i64} {
  func.func @_loss_body(%arg0: i32, %arg1: i32, %arg2: memref<1000000xf32, #tpu.memory_space<hbm>>, %arg3: memref<1024x50xi32, #tpu.memory_space<hbm>>, %arg4: memref<1024x50xi32, #tpu.memory_space<hbm>>, %arg5: memref<32x16xf32, #tpu.memory_space<hbm>>, %arg6: memref<32x50xi32, #tpu.memory_space<vmem>>, %arg7: memref<32x50xi32, #tpu.memory_space<vmem>>, %arg8: memref<32x50xi32, #tpu.memory_space<vmem>>, %arg9: memref<32x50xf32, #tpu.memory_space<vmem>>, %arg10: memref<16xf32, #tpu.memory_space<vmem>>, %arg11: memref<!tpu.dma_semaphore, #tpu.memory_space<semaphore_mem>>) attributes {dimension_semantics = [#tpu.dimension_semantics<core_parallel>, #tpu.dimension_semantics<subcore_parallel>], iteration_bounds = array<i64: 2, 16>, scalar_prefetch = 0 : i64, scratch_operands = 6 : i64, tpu.core_type = #tpu.core_type<sc_vector_subcore>, window_params = [{transform_indices = #map}, {transform_indices = #map1}, {transform_indices = #map1}, {transform_indices = #map1}]} {
    %mul3A = arith.constant 2 : i32
    %mul3A_0 = arith.muli %arg1, %mul3A : i32
    %add3A = arith.addi %mul3A_0, %arg0 : i32
    %mul3A_1 = arith.constant 32 : i32
    %mul3A_2 = arith.muli %add3A, %mul3A_1 : i32
    "tpu.region"() ({
      %run_scoped3A = tpu.sem_alloc : memref<!tpu.dma_semaphore, #tpu.memory_space<semaphore_mem>>
      %dma_start3A = arith.constant 0 : i32
      %dma_start3A_24 = tpu.memref_slice %arg3[%mul3A_2, %dma_start3A] : memref<1024x50xi32, #tpu.memory_space<hbm>> -> memref<32x50xi32, #tpu.memory_space<hbm>>
      %dma_start3A_25 = arith.constant 0 : i32
      %dma_start3A_26 = tpu.memref_slice %arg3[%mul3A_2, %dma_start3A_25] : memref<1024x50xi32, #tpu.memory_space<hbm>> -> memref<32x50xi32, #tpu.memory_space<hbm>>
      tpu.enqueue_dma source(%dma_start3A_26 : memref<32x50xi32, #tpu.memory_space<hbm>>) target(%arg6 : memref<32x50xi32, #tpu.memory_space<vmem>>) target_semaphore(%run_scoped3A : memref<!tpu.dma_semaphore, #tpu.memory_space<semaphore_mem>>)
      %dma_wait3A = arith.constant 0 : i32
      %dma_wait3A_27 = tpu.memref_slice %arg3[%mul3A_2, %dma_wait3A] : memref<1024x50xi32, #tpu.memory_space<hbm>> -> memref<32x50xi32, #tpu.memory_space<hbm>>
      %dma_wait3A_28 = arith.constant 0 : i32
      %dma_wait3A_29 = tpu.memref_slice %arg3[%mul3A_2, %dma_wait3A_28] : memref<1024x50xi32, #tpu.memory_space<hbm>> -> memref<32x50xi32, #tpu.memory_space<hbm>>
      tpu.wait_dma2 semaphore(%run_scoped3A : memref<!tpu.dma_semaphore, #tpu.memory_space<semaphore_mem>>) src(%dma_wait3A_29 : memref<32x50xi32, #tpu.memory_space<hbm>>) dst(%arg6 : memref<32x50xi32, #tpu.memory_space<vmem>>)
      tpu.yield
    }) : () -> ()
    "tpu.region"() ({
      %run_scoped3A = tpu.sem_alloc : memref<!tpu.dma_semaphore, #tpu.memory_space<semaphore_mem>>
      %dma_start3A = arith.constant 0 : i32
      %dma_start3A_24 = tpu.memref_slice %arg4[%mul3A_2, %dma_start3A] : memref<1024x50xi32, #tpu.memory_space<hbm>> -> memref<32x50xi32, #tpu.memory_space<hbm>>
      %dma_start3A_25 = arith.constant 0 : i32
      %dma_start3A_26 = tpu.memref_slice %arg4[%mul3A_2, %dma_start3A_25] : memref<1024x50xi32, #tpu.memory_space<hbm>> -> memref<32x50xi32, #tpu.memory_space<hbm>>
      tpu.enqueue_dma source(%dma_start3A_26 : memref<32x50xi32, #tpu.memory_space<hbm>>) target(%arg7 : memref<32x50xi32, #tpu.memory_space<vmem>>) target_semaphore(%run_scoped3A : memref<!tpu.dma_semaphore, #tpu.memory_space<semaphore_mem>>)
      %dma_wait3A = arith.constant 0 : i32
      %dma_wait3A_27 = tpu.memref_slice %arg4[%mul3A_2, %dma_wait3A] : memref<1024x50xi32, #tpu.memory_space<hbm>> -> memref<32x50xi32, #tpu.memory_space<hbm>>
      %dma_wait3A_28 = arith.constant 0 : i32
      %dma_wait3A_29 = tpu.memref_slice %arg4[%mul3A_2, %dma_wait3A_28] : memref<1024x50xi32, #tpu.memory_space<hbm>> -> memref<32x50xi32, #tpu.memory_space<hbm>>
      tpu.wait_dma2 semaphore(%run_scoped3A : memref<!tpu.dma_semaphore, #tpu.memory_space<semaphore_mem>>) src(%dma_wait3A_29 : memref<32x50xi32, #tpu.memory_space<hbm>>) dst(%arg7 : memref<32x50xi32, #tpu.memory_space<vmem>>)
      tpu.yield
    }) : () -> ()
    %scan3A = arith.constant 0 : i32
    %scan3A_3 = arith.constant 0 : i32
    %scan3A_4 = arith.constant 32 : i32
    %scan3A_5 = arith.addi %scan3A_3, %scan3A_4 : i32
    %scan3A_6 = arith.constant 1 : i32
    scf.for %scan3A_24 = %scan3A_3 to %scan3A_5 step %scan3A_6  : i32 {
      %get3A = arith.index_cast %scan3A_24 : i32 to index
      %get3A_25 = arith.constant 0 : index
      %get3A_26 = tpu.vector_load %arg6[%get3A, %get3A_25] {strides = array<i32>} : memref<32x50xi32, #tpu.memory_space<vmem>>, vector<1x16xi32>,
      %get3A_27 = vector.shape_cast %get3A_26 : vector<1x16xi32> to vector<16xi32>
      %get3A_28 = arith.index_cast %scan3A_24 : i32 to index
      %get3A_29 = arith.constant 0 : index
      %get3A_30 = tpu.vector_load %arg7[%get3A_28, %get3A_29] {strides = array<i32>} : memref<32x50xi32, #tpu.memory_space<vmem>>, vector<1x16xi32>,
      %get3A_31 = vector.shape_cast %get3A_30 : vector<1x16xi32> to vector<16xi32>
      %mul3A_32 = arith.constant 1000 : i32
      %mul3A_33 = vector.broadcast %mul3A_32 : i32 to vector<16xi32>
      %mul3A_34 = arith.muli %get3A_27, %mul3A_33 : vector<16xi32>
      %add3A_35 = arith.addi %mul3A_34, %get3A_31 : vector<16xi32>
      %swap3A_36 = arith.index_cast %scan3A_24 : i32 to index
      %swap3A_37 = arith.constant 0 : index
      %swap3A_38 = tpu.vector_load %arg8[%swap3A_36, %swap3A_37] {strides = array<i32>} : memref<32x50xi32, #tpu.memory_space<vmem>>, vector<1x16xi32>,
      %swap3A_39 = vector.shape_cast %swap3A_38 : vector<1x16xi32> to vector<16xi32>
      %swap3A_40 = vector.shape_cast %add3A_35 : vector<16xi32> to vector<1x16xi32>
      tpu.vector_store %arg8[%swap3A_36, %swap3A_37], %swap3A_40 {strides = array<i32>} : memref<32x50xi32, #tpu.memory_space<vmem>>, vector<1x16xi32>,
      %get3A_41 = arith.index_cast %scan3A_24 : i32 to index
      %get3A_42 = arith.constant 16 : index
      %get3A_43 = tpu.vector_load %arg6[%get3A_41, %get3A_42] {strides = array<i32>} : memref<32x50xi32, #tpu.memory_space<vmem>>, vector<1x16xi32>,
      %get3A_44 = vector.shape_cast %get3A_43 : vector<1x16xi32> to vector<16xi32>
      %get3A_45 = arith.index_cast %scan3A_24 : i32 to index
      %get3A_46 = arith.constant 16 : index
      %get3A_47 = tpu.vector_load %arg7[%get3A_45, %get3A_46] {strides = array<i32>} : memref<32x50xi32, #tpu.memory_space<vmem>>, vector<1x16xi32>,
      %get3A_48 = vector.shape_cast %get3A_47 : vector<1x16xi32> to vector<16xi32>
      %mul3A_49 = arith.constant 1000 : i32
      %mul3A_50 = vector.broadcast %mul3A_49 : i32 to vector<16xi32>
      %mul3A_51 = arith.muli %get3A_44, %mul3A_50 : vector<16xi32>
      %add3A_52 = arith.addi %mul3A_51, %get3A_48 : vector<16xi32>
      %swap3A_53 = arith.index_cast %scan3A_24 : i32 to index
      %swap3A_54 = arith.constant 16 : index
      %swap3A_55 = tpu.vector_load %arg8[%swap3A_53, %swap3A_54] {strides = array<i32>} : memref<32x50xi32, #tpu.memory_space<vmem>>, vector<1x16xi32>,
      %swap3A_56 = vector.shape_cast %swap3A_55 : vector<1x16xi32> to vector<16xi32>
      %swap3A_57 = vector.shape_cast %add3A_52 : vector<16xi32> to vector<1x16xi32>
      tpu.vector_store %arg8[%swap3A_53, %swap3A_54], %swap3A_57 {strides = array<i32>} : memref<32x50xi32, #tpu.memory_space<vmem>>, vector<1x16xi32>,
      %get3A_58 = arith.index_cast %scan3A_24 : i32 to index
      %get3A_59 = arith.constant 32 : index
      %get3A_60 = tpu.vector_load %arg6[%get3A_58, %get3A_59] {strides = array<i32>} : memref<32x50xi32, #tpu.memory_space<vmem>>, vector<1x16xi32>,
      %get3A_61 = vector.shape_cast %get3A_60 : vector<1x16xi32> to vector<16xi32>
      %get3A_62 = arith.index_cast %scan3A_24 : i32 to index
      %get3A_63 = arith.constant 32 : index
      %get3A_64 = tpu.vector_load %arg7[%get3A_62, %get3A_63] {strides = array<i32>} : memref<32x50xi32, #tpu.memory_space<vmem>>, vector<1x16xi32>,
      %get3A_65 = vector.shape_cast %get3A_64 : vector<1x16xi32> to vector<16xi32>
      %mul3A_66 = arith.constant 1000 : i32
      %mul3A_67 = vector.broadcast %mul3A_66 : i32 to vector<16xi32>
      %mul3A_68 = arith.muli %get3A_61, %mul3A_67 : vector<16xi32>
      %add3A_69 = arith.addi %mul3A_68, %get3A_65 : vector<16xi32>
      %swap3A_70 = arith.index_cast %scan3A_24 : i32 to index
      %swap3A_71 = arith.constant 32 : index
      %swap3A_72 = tpu.vector_load %arg8[%swap3A_70, %swap3A_71] {strides = array<i32>} : memref<32x50xi32, #tpu.memory_space<vmem>>, vector<1x16xi32>,
      %swap3A_73 = vector.shape_cast %swap3A_72 : vector<1x16xi32> to vector<16xi32>
      %swap3A_74 = vector.shape_cast %add3A_69 : vector<16xi32> to vector<1x16xi32>
      tpu.vector_store %arg8[%swap3A_70, %swap3A_71], %swap3A_74 {strides = array<i32>} : memref<32x50xi32, #tpu.memory_space<vmem>>, vector<1x16xi32>,
      %get3A_75 = arith.index_cast %scan3A_24 : i32 to index
      %get3A_76 = arith.constant 34 : index
      %get3A_77 = tpu.vector_load %arg6[%get3A_75, %get3A_76] {strides = array<i32>} : memref<32x50xi32, #tpu.memory_space<vmem>>, vector<1x16xi32>,
      %get3A_78 = vector.shape_cast %get3A_77 : vector<1x16xi32> to vector<16xi32>
      %get3A_79 = arith.index_cast %scan3A_24 : i32 to index
      %get3A_80 = arith.constant 34 : index
      %get3A_81 = tpu.vector_load %arg7[%get3A_79, %get3A_80] {strides = array<i32>} : memref<32x50xi32, #tpu.memory_space<vmem>>, vector<1x16xi32>,
      %get3A_82 = vector.shape_cast %get3A_81 : vector<1x16xi32> to vector<16xi32>
      %mul3A_83 = arith.constant 1000 : i32
      %mul3A_84 = vector.broadcast %mul3A_83 : i32 to vector<16xi32>
      %mul3A_85 = arith.muli %get3A_78, %mul3A_84 : vector<16xi32>
      %add3A_86 = arith.addi %mul3A_85, %get3A_82 : vector<16xi32>
      %swap3A_87 = arith.index_cast %scan3A_24 : i32 to index
      %swap3A_88 = arith.constant 34 : index
      %swap3A_89 = tpu.vector_load %arg8[%swap3A_87, %swap3A_88] {strides = array<i32>} : memref<32x50xi32, #tpu.memory_space<vmem>>, vector<1x16xi32>,
      %swap3A_90 = vector.shape_cast %swap3A_89 : vector<1x16xi32> to vector<16xi32>
      %swap3A_91 = vector.shape_cast %add3A_86 : vector<16xi32> to vector<1x16xi32>
      tpu.vector_store %arg8[%swap3A_87, %swap3A_88], %swap3A_91 {strides = array<i32>} : memref<32x50xi32, #tpu.memory_space<vmem>>, vector<1x16xi32>,
    }
    %scan3A_7 = arith.constant 32 : i32
    %scan3A_8 = arith.constant 0 : i32
    %scan3A_9 = arith.constant 0 : i32
    %scan3A_10 = arith.constant 32 : i32
    %scan3A_11 = arith.addi %scan3A_9, %scan3A_10 : i32
    %scan3A_12 = arith.constant 1 : i32
    scf.for %scan3A_24 = %scan3A_9 to %scan3A_11 step %scan3A_12  : i32 {
      %dma_start3A = arith.constant 0 : i32
      %dma_start3A_25 = tpu.memref_slice %arg9[%scan3A_24, %dma_start3A] : memref<32x50xf32, #tpu.memory_space<vmem>> -> memref<1x50xf32, #tpu.memory_space<vmem>>
      %dma_start3A_26 = tpu.memref_squeeze %dma_start3A_25 : memref<1x50xf32, #tpu.memory_space<vmem>> -> memref<50xf32, #tpu.memory_space<vmem>>
      %dma_start3A_27 = arith.constant 0 : i32
      %dma_start3A_28 = tpu.memref_slice %arg8[%scan3A_24, %dma_start3A_27] : memref<32x50xi32, #tpu.memory_space<vmem>> -> memref<1x50xi32, #tpu.memory_space<vmem>>
      %dma_start3A_29 = tpu.memref_squeeze %dma_start3A_28 : memref<1x50xi32, #tpu.memory_space<vmem>> -> memref<50xi32, #tpu.memory_space<vmem>>
      %dma_start3A_30 = arith.constant 0 : i32
      %dma_start3A_31 = tpu.memref_slice %arg2[%dma_start3A_30] : memref<1000000xf32, #tpu.memory_space<hbm>> -> memref<1000000xf32, #tpu.memory_space<hbm>>
      tpu.enqueue_indirect_dma source(%dma_start3A_31 : memref<1000000xf32, #tpu.memory_space<hbm>>) target(%dma_start3A_26 : memref<50xf32, #tpu.memory_space<vmem>>) offsets(%dma_start3A_29 : memref<50xi32, #tpu.memory_space<vmem>>) semaphore(%arg11 : memref<!tpu.dma_semaphore, #tpu.memory_space<semaphore_mem>>)
    }
    %scan3A_13 = arith.constant 32 : i32
    %broadcast_in_dim3A = arith.constant 0.000000e+00 : f32
    %broadcast_in_dim3A_14 = vector.broadcast %broadcast_in_dim3A : f32 to vector<16xf32>
    %swap3A = arith.constant 0 : index
    %swap3A_15 = tpu.vector_load %arg10[%swap3A] {strides = array<i32>} : memref<16xf32, #tpu.memory_space<vmem>>, vector<16xf32>,
    %swap3A_16 = vector.shape_cast %swap3A_15 : vector<16xf32> to vector<16xf32>
    %swap3A_17 = vector.shape_cast %broadcast_in_dim3A_14 : vector<16xf32> to vector<16xf32>
    tpu.vector_store %arg10[%swap3A], %swap3A_17 {strides = array<i32>} : memref<16xf32, #tpu.memory_space<vmem>>, vector<16xf32>,
    %iota3A = tpu.iota {dimensions = array<i32: 0>} : vector<16xi32>
    %scan3A_18 = arith.constant 0 : i32
    %scan3A_19 = arith.constant 0 : i32
    %scan3A_20 = arith.constant 32 : i32
    %scan3A_21 = arith.addi %scan3A_19, %scan3A_20 : i32
    %scan3A_22 = arith.constant 1 : i32
    scf.for %scan3A_24 = %scan3A_19 to %scan3A_21 step %scan3A_22  : i32 {
      %dma_wait3A = arith.constant 0 : i32
      %dma_wait3A_25 = tpu.memref_slice %arg9[%scan3A_24, %dma_wait3A] : memref<32x50xf32, #tpu.memory_space<vmem>> -> memref<1x50xf32, #tpu.memory_space<vmem>>
      %dma_wait3A_26 = tpu.memref_squeeze %dma_wait3A_25 : memref<1x50xf32, #tpu.memory_space<vmem>> -> memref<50xf32, #tpu.memory_space<vmem>>
      %dma_wait3A_27 = arith.constant 0 : i32
      %dma_wait3A_28 = tpu.memref_slice %arg8[%scan3A_24, %dma_wait3A_27] : memref<32x50xi32, #tpu.memory_space<vmem>> -> memref<1x50xi32, #tpu.memory_space<vmem>>
      %dma_wait3A_29 = tpu.memref_squeeze %dma_wait3A_28 : memref<1x50xi32, #tpu.memory_space<vmem>> -> memref<50xi32, #tpu.memory_space<vmem>>
      %dma_wait3A_30 = arith.constant 0 : i32
      %dma_wait3A_31 = tpu.memref_slice %arg2[%dma_wait3A_30] : memref<1000000xf32, #tpu.memory_space<hbm>> -> memref<1000000xf32, #tpu.memory_space<hbm>>
      tpu.wait_indirect_dma semaphore(%arg11 : memref<!tpu.dma_semaphore, #tpu.memory_space<semaphore_mem>>) src(%dma_wait3A_31 : memref<1000000xf32, #tpu.memory_space<hbm>>) dst(%dma_wait3A_26 : memref<50xf32, #tpu.memory_space<vmem>>)
      %get3A = arith.index_cast %scan3A_24 : i32 to index
      %get3A_32 = arith.constant 0 : index
      %get3A_33 = tpu.vector_load %arg9[%get3A, %get3A_32] {strides = array<i32>} : memref<32x50xf32, #tpu.memory_space<vmem>>, vector<1x16xf32>,
      %get3A_34 = vector.shape_cast %get3A_33 : vector<1x16xf32> to vector<16xf32>
      %get3A_35 = arith.constant 0 : index
      %get3A_36 = tpu.vector_load %arg10[%get3A_35] {strides = array<i32>} : memref<16xf32, #tpu.memory_space<vmem>>, vector<16xf32>,
      %get3A_37 = vector.shape_cast %get3A_36 : vector<16xf32> to vector<16xf32>
      %add3A_38 = arith.addf %get3A_37, %get3A_34 : vector<16xf32>
      %swap3A_39 = arith.constant 0 : index
      %swap3A_40 = tpu.vector_load %arg10[%swap3A_39] {strides = array<i32>} : memref<16xf32, #tpu.memory_space<vmem>>, vector<16xf32>,
      %swap3A_41 = vector.shape_cast %swap3A_40 : vector<16xf32> to vector<16xf32>
      %swap3A_42 = vector.shape_cast %add3A_38 : vector<16xf32> to vector<16xf32>
      tpu.vector_store %arg10[%swap3A_39], %swap3A_42 {strides = array<i32>} : memref<16xf32, #tpu.memory_space<vmem>>, vector<16xf32>,
      %get3A_43 = arith.index_cast %scan3A_24 : i32 to index
      %get3A_44 = arith.constant 16 : index
      %get3A_45 = tpu.vector_load %arg9[%get3A_43, %get3A_44] {strides = array<i32>} : memref<32x50xf32, #tpu.memory_space<vmem>>, vector<1x16xf32>,
      %get3A_46 = vector.shape_cast %get3A_45 : vector<1x16xf32> to vector<16xf32>
      %get3A_47 = arith.constant 0 : index
      %get3A_48 = tpu.vector_load %arg10[%get3A_47] {strides = array<i32>} : memref<16xf32, #tpu.memory_space<vmem>>, vector<16xf32>,
      %get3A_49 = vector.shape_cast %get3A_48 : vector<16xf32> to vector<16xf32>
      %add3A_50 = arith.addf %get3A_49, %get3A_46 : vector<16xf32>
      %swap3A_51 = arith.constant 0 : index
      %swap3A_52 = tpu.vector_load %arg10[%swap3A_51] {strides = array<i32>} : memref<16xf32, #tpu.memory_space<vmem>>, vector<16xf32>,
      %swap3A_53 = vector.shape_cast %swap3A_52 : vector<16xf32> to vector<16xf32>
      %swap3A_54 = vector.shape_cast %add3A_50 : vector<16xf32> to vector<16xf32>
      tpu.vector_store %arg10[%swap3A_51], %swap3A_54 {strides = array<i32>} : memref<16xf32, #tpu.memory_space<vmem>>, vector<16xf32>,
      %get3A_55 = arith.index_cast %scan3A_24 : i32 to index
      %get3A_56 = arith.constant 32 : index
      %get3A_57 = tpu.vector_load %arg9[%get3A_55, %get3A_56] {strides = array<i32>} : memref<32x50xf32, #tpu.memory_space<vmem>>, vector<1x16xf32>,
      %get3A_58 = vector.shape_cast %get3A_57 : vector<1x16xf32> to vector<16xf32>
      %get3A_59 = arith.constant 0 : index
      %get3A_60 = tpu.vector_load %arg10[%get3A_59] {strides = array<i32>} : memref<16xf32, #tpu.memory_space<vmem>>, vector<16xf32>,
      %get3A_61 = vector.shape_cast %get3A_60 : vector<16xf32> to vector<16xf32>
      %add3A_62 = arith.addf %get3A_61, %get3A_58 : vector<16xf32>
      %swap3A_63 = arith.constant 0 : index
      %swap3A_64 = tpu.vector_load %arg10[%swap3A_63] {strides = array<i32>} : memref<16xf32, #tpu.memory_space<vmem>>, vector<16xf32>,
      %swap3A_65 = vector.shape_cast %swap3A_64 : vector<16xf32> to vector<16xf32>
      %swap3A_66 = vector.shape_cast %add3A_62 : vector<16xf32> to vector<16xf32>
      tpu.vector_store %arg10[%swap3A_63], %swap3A_66 {strides = array<i32>} : memref<16xf32, #tpu.memory_space<vmem>>, vector<16xf32>,
      %get3A_67 = arith.index_cast %scan3A_24 : i32 to index
      %get3A_68 = arith.constant 34 : index
      %get3A_69 = tpu.vector_load %arg9[%get3A_67, %get3A_68] {strides = array<i32>} : memref<32x50xf32, #tpu.memory_space<vmem>>, vector<1x16xf32>,
      %get3A_70 = vector.shape_cast %get3A_69 : vector<1x16xf32> to vector<16xf32>
      %ge3A = arith.constant 14 : i32
      %ge3A_71 = vector.broadcast %ge3A : i32 to vector<16xi32>
      %ge3A_72 = arith.cmpi sge, %iota3A, %ge3A_71 : vector<16xi32>
      %jit3A = arith.constant 0.000000e+00 : f32
      %broadcast_in_dim3A_73 = vector.broadcast %jit3A : f32 to vector<16xf32>
      %select_n3A = arith.select %ge3A_72, %get3A_70, %broadcast_in_dim3A_73 : vector<16xi1>, vector<16xf32>
      %get3A_74 = arith.constant 0 : index
      %get3A_75 = tpu.vector_load %arg10[%get3A_74] {strides = array<i32>} : memref<16xf32, #tpu.memory_space<vmem>>, vector<16xf32>,
      %get3A_76 = vector.shape_cast %get3A_75 : vector<16xf32> to vector<16xf32>
      %add3A_77 = arith.addf %get3A_76, %select_n3A : vector<16xf32>
      %swap3A_78 = arith.constant 0 : index
      %swap3A_79 = tpu.vector_load %arg10[%swap3A_78] {strides = array<i32>} : memref<16xf32, #tpu.memory_space<vmem>>, vector<16xf32>,
      %swap3A_80 = vector.shape_cast %swap3A_79 : vector<16xf32> to vector<16xf32>
      %swap3A_81 = vector.shape_cast %add3A_77 : vector<16xf32> to vector<16xf32>
      tpu.vector_store %arg10[%swap3A_78], %swap3A_81 {strides = array<i32>} : memref<16xf32, #tpu.memory_space<vmem>>, vector<16xf32>,
    }
    %scan3A_23 = arith.constant 32 : i32
    "tpu.region"() ({
      %run_scoped3A = tpu.sem_alloc : memref<!tpu.dma_semaphore, #tpu.memory_space<semaphore_mem>>
      %dma_start3A = arith.constant 0 : i32
      %dma_start3A_24 = tpu.memref_slice %arg5[%add3A, %dma_start3A] : memref<32x16xf32, #tpu.memory_space<hbm>> -> memref<1x16xf32, #tpu.memory_space<hbm>>
      %dma_start3A_25 = tpu.memref_squeeze %dma_start3A_24 : memref<1x16xf32, #tpu.memory_space<hbm>> -> memref<16xf32, #tpu.memory_space<hbm>>
      %dma_start3A_26 = arith.constant 0 : i32
      %dma_start3A_27 = tpu.memref_slice %arg5[%add3A, %dma_start3A_26] : memref<32x16xf32, #tpu.memory_space<hbm>> -> memref<1x16xf32, #tpu.memory_space<hbm>>
      %dma_start3A_28 = tpu.memref_squeeze %dma_start3A_27 : memref<1x16xf32, #tpu.memory_space<hbm>> -> memref<16xf32, #tpu.memory_space<hbm>>
      tpu.enqueue_dma source(%arg10 : memref<16xf32, #tpu.memory_space<vmem>>) target(%dma_start3A_28 : memref<16xf32, #tpu.memory_space<hbm>>) target_semaphore(%run_scoped3A : memref<!tpu.dma_semaphore, #tpu.memory_space<semaphore_mem>>)
      %dma_wait3A = arith.constant 0 : i32
      %dma_wait3A_29 = tpu.memref_slice %arg5[%add3A, %dma_wait3A] : memref<32x16xf32, #tpu.memory_space<hbm>> -> memref<1x16xf32, #tpu.memory_space<hbm>>
      %dma_wait3A_30 = tpu.memref_squeeze %dma_wait3A_29 : memref<1x16xf32, #tpu.memory_space<hbm>> -> memref<16xf32, #tpu.memory_space<hbm>>
      %dma_wait3A_31 = arith.constant 0 : i32
      %dma_wait3A_32 = tpu.memref_slice %arg5[%add3A, %dma_wait3A_31] : memref<32x16xf32, #tpu.memory_space<hbm>> -> memref<1x16xf32, #tpu.memory_space<hbm>>
      %dma_wait3A_33 = tpu.memref_squeeze %dma_wait3A_32 : memref<1x16xf32, #tpu.memory_space<hbm>> -> memref<16xf32, #tpu.memory_space<hbm>>
      tpu.wait_dma2 semaphore(%run_scoped3A : memref<!tpu.dma_semaphore, #tpu.memory_space<semaphore_mem>>) src(%arg10 : memref<16xf32, #tpu.memory_space<vmem>>) dst(%dma_wait3A_33 : memref<16xf32, #tpu.memory_space<hbm>>)
      tpu.yield
    }) : () -> ()
    return
  }
}

#map = affine_map<(d0, d1) -> (0, 0, 0)>
#map1 = affine_map<(d0, d1) -> (0, 0)>
module attributes {stable_mosaic.version = 14 : i64} {
  func.func @_gather_body(%arg0: i32, %arg1: i32, %arg2: memref<1000x8x128xf32, #tpu.memory_space<hbm>>, %arg3: memref<1024x50xi32, #tpu.memory_space<hbm>>, %arg4: memref<51200x8x128xf32, #tpu.memory_space<hbm>>, %arg5: memref<32x50xi32, #tpu.memory_space<vmem>>, %arg6: memref<50x8x128xf32, #tpu.memory_space<vmem>>, %arg7: memref<50x8x128xf32, #tpu.memory_space<vmem>>, %arg8: memref<!tpu.dma_semaphore, #tpu.memory_space<semaphore_mem>>, %arg9: memref<!tpu.dma_semaphore, #tpu.memory_space<semaphore_mem>>) attributes {dimension_semantics = [#tpu.dimension_semantics<core_parallel>, #tpu.dimension_semantics<subcore_parallel>], iteration_bounds = array<i64: 2, 16>, scalar_prefetch = 0 : i64, scratch_operands = 5 : i64, tpu.core_type = #tpu.core_type<sc_vector_subcore>, window_params = [{transform_indices = #map}, {transform_indices = #map1}, {transform_indices = #map}]} {
    %mul3A = arith.constant 2 : i32
    %mul3A_0 = arith.muli %arg1, %mul3A : i32
    %add3A = arith.addi %mul3A_0, %arg0 : i32
    %mul3A_1 = arith.constant 32 : i32
    %mul3A_2 = arith.muli %add3A, %mul3A_1 : i32
    "tpu.region"() ({
      %run_scoped3A = tpu.sem_alloc : memref<!tpu.dma_semaphore, #tpu.memory_space<semaphore_mem>>
      %dma_start3A_15 = arith.constant 0 : i32
      %dma_start3A_16 = tpu.memref_slice %arg3[%mul3A_2, %dma_start3A_15] : memref<1024x50xi32, #tpu.memory_space<hbm>> -> memref<32x50xi32, #tpu.memory_space<hbm>>
      %dma_start3A_17 = arith.constant 0 : i32
      %dma_start3A_18 = tpu.memref_slice %arg3[%mul3A_2, %dma_start3A_17] : memref<1024x50xi32, #tpu.memory_space<hbm>> -> memref<32x50xi32, #tpu.memory_space<hbm>>
      tpu.enqueue_dma source(%dma_start3A_18 : memref<32x50xi32, #tpu.memory_space<hbm>>) target(%arg5 : memref<32x50xi32, #tpu.memory_space<vmem>>) target_semaphore(%run_scoped3A : memref<!tpu.dma_semaphore, #tpu.memory_space<semaphore_mem>>)
      %dma_wait3A = arith.constant 0 : i32
      %dma_wait3A_19 = tpu.memref_slice %arg3[%mul3A_2, %dma_wait3A] : memref<1024x50xi32, #tpu.memory_space<hbm>> -> memref<32x50xi32, #tpu.memory_space<hbm>>
      %dma_wait3A_20 = arith.constant 0 : i32
      %dma_wait3A_21 = tpu.memref_slice %arg3[%mul3A_2, %dma_wait3A_20] : memref<1024x50xi32, #tpu.memory_space<hbm>> -> memref<32x50xi32, #tpu.memory_space<hbm>>
      tpu.wait_dma2 semaphore(%run_scoped3A : memref<!tpu.dma_semaphore, #tpu.memory_space<semaphore_mem>>) src(%dma_wait3A_21 : memref<32x50xi32, #tpu.memory_space<hbm>>) dst(%arg5 : memref<32x50xi32, #tpu.memory_space<vmem>>)
      tpu.yield
    }) : () -> ()
    %dma_start3A = arith.constant 0 : i32
    %dma_start3A_3 = arith.constant 0 : i32
    %dma_start3A_4 = tpu.memref_slice %arg5[%dma_start3A, %dma_start3A_3] : memref<32x50xi32, #tpu.memory_space<vmem>> -> memref<1x50xi32, #tpu.memory_space<vmem>>
    %dma_start3A_5 = tpu.memref_squeeze %dma_start3A_4 : memref<1x50xi32, #tpu.memory_space<vmem>> -> memref<50xi32, #tpu.memory_space<vmem>>
    %dma_start3A_6 = arith.constant 0 : i32
    %dma_start3A_7 = arith.constant 0 : i32
    %dma_start3A_8 = arith.constant 0 : i32
    %dma_start3A_9 = tpu.memref_slice %arg2[%dma_start3A_6, %dma_start3A_7, %dma_start3A_8] : memref<1000x8x128xf32, #tpu.memory_space<hbm>> -> memref<1000x8x128xf32, #tpu.memory_space<hbm>>
    tpu.enqueue_indirect_dma source(%dma_start3A_9 : memref<1000x8x128xf32, #tpu.memory_space<hbm>>) target(%arg6 : memref<50x8x128xf32, #tpu.memory_space<vmem>>) offsets(%dma_start3A_5 : memref<50xi32, #tpu.memory_space<vmem>>) semaphore(%arg8 : memref<!tpu.dma_semaphore, #tpu.memory_space<semaphore_mem>>)
    %scan3A = arith.constant 0 : i32
    %scan3A_10 = arith.constant 0 : i32
    %scan3A_11 = arith.constant 16 : i32
    %scan3A_12 = arith.addi %scan3A_10, %scan3A_11 : i32
    %scan3A_13 = arith.constant 1 : i32
    scf.for %scan3A_15 = %scan3A_10 to %scan3A_12 step %scan3A_13  : i32 {
      %mul3A_16 = arith.constant 2 : i32
      %mul3A_17 = arith.muli %scan3A_15, %mul3A_16 : i32
      %add3A_18 = arith.constant 1 : i32
      %add3A_19 = arith.addi %mul3A_17, %add3A_18 : i32
      %dma_start3A_20 = arith.constant 0 : i32
      %dma_start3A_21 = tpu.memref_slice %arg5[%add3A_19, %dma_start3A_20] : memref<32x50xi32, #tpu.memory_space<vmem>> -> memref<1x50xi32, #tpu.memory_space<vmem>>
      %dma_start3A_22 = tpu.memref_squeeze %dma_start3A_21 : memref<1x50xi32, #tpu.memory_space<vmem>> -> memref<50xi32, #tpu.memory_space<vmem>>
      %dma_start3A_23 = arith.constant 0 : i32
      %dma_start3A_24 = arith.constant 0 : i32
      %dma_start3A_25 = arith.constant 0 : i32
      %dma_start3A_26 = tpu.memref_slice %arg2[%dma_start3A_23, %dma_start3A_24, %dma_start3A_25] : memref<1000x8x128xf32, #tpu.memory_space<hbm>> -> memref<1000x8x128xf32, #tpu.memory_space<hbm>>
      tpu.enqueue_indirect_dma source(%dma_start3A_26 : memref<1000x8x128xf32, #tpu.memory_space<hbm>>) target(%arg7 : memref<50x8x128xf32, #tpu.memory_space<vmem>>) offsets(%dma_start3A_22 : memref<50xi32, #tpu.memory_space<vmem>>) semaphore(%arg9 : memref<!tpu.dma_semaphore, #tpu.memory_space<semaphore_mem>>)
      %dma_wait3A = arith.constant 0 : i32
      %dma_wait3A_27 = tpu.memref_slice %arg5[%mul3A_17, %dma_wait3A] : memref<32x50xi32, #tpu.memory_space<vmem>> -> memref<1x50xi32, #tpu.memory_space<vmem>>
      %dma_wait3A_28 = tpu.memref_squeeze %dma_wait3A_27 : memref<1x50xi32, #tpu.memory_space<vmem>> -> memref<50xi32, #tpu.memory_space<vmem>>
      %dma_wait3A_29 = arith.constant 0 : i32
      %dma_wait3A_30 = arith.constant 0 : i32
      %dma_wait3A_31 = arith.constant 0 : i32
      %dma_wait3A_32 = tpu.memref_slice %arg2[%dma_wait3A_29, %dma_wait3A_30, %dma_wait3A_31] : memref<1000x8x128xf32, #tpu.memory_space<hbm>> -> memref<1000x8x128xf32, #tpu.memory_space<hbm>>
      tpu.wait_indirect_dma semaphore(%arg8 : memref<!tpu.dma_semaphore, #tpu.memory_space<semaphore_mem>>) src(%dma_wait3A_32 : memref<1000x8x128xf32, #tpu.memory_space<hbm>>) dst(%arg6 : memref<50x8x128xf32, #tpu.memory_space<vmem>>)
      %add3A_33 = arith.addi %mul3A_2, %mul3A_17 : i32
      %mul3A_34 = arith.constant 50 : i32
      %mul3A_35 = arith.muli %add3A_33, %mul3A_34 : i32
      "tpu.region"() ({
        %run_scoped3A = tpu.sem_alloc : memref<!tpu.dma_semaphore, #tpu.memory_space<semaphore_mem>>
        %dma_start3A_52 = arith.constant 0 : i32
        %dma_start3A_53 = arith.constant 0 : i32
        %dma_start3A_54 = tpu.memref_slice %arg4[%mul3A_35, %dma_start3A_52, %dma_start3A_53] : memref<51200x8x128xf32, #tpu.memory_space<hbm>> -> memref<50x8x128xf32, #tpu.memory_space<hbm>>
        %dma_start3A_55 = arith.constant 0 : i32
        %dma_start3A_56 = arith.constant 0 : i32
        %dma_start3A_57 = tpu.memref_slice %arg4[%mul3A_35, %dma_start3A_55, %dma_start3A_56] : memref<51200x8x128xf32, #tpu.memory_space<hbm>> -> memref<50x8x128xf32, #tpu.memory_space<hbm>>
        tpu.enqueue_dma source(%arg6 : memref<50x8x128xf32, #tpu.memory_space<vmem>>) target(%dma_start3A_57 : memref<50x8x128xf32, #tpu.memory_space<hbm>>) target_semaphore(%run_scoped3A : memref<!tpu.dma_semaphore, #tpu.memory_space<semaphore_mem>>)
        %dma_wait3A_58 = arith.constant 0 : i32
        %dma_wait3A_59 = arith.constant 0 : i32
        %dma_wait3A_60 = tpu.memref_slice %arg4[%mul3A_35, %dma_wait3A_58, %dma_wait3A_59] : memref<51200x8x128xf32, #tpu.memory_space<hbm>> -> memref<50x8x128xf32, #tpu.memory_space<hbm>>
        %dma_wait3A_61 = arith.constant 0 : i32
        %dma_wait3A_62 = arith.constant 0 : i32
        %dma_wait3A_63 = tpu.memref_slice %arg4[%mul3A_35, %dma_wait3A_61, %dma_wait3A_62] : memref<51200x8x128xf32, #tpu.memory_space<hbm>> -> memref<50x8x128xf32, #tpu.memory_space<hbm>>
        tpu.wait_dma2 semaphore(%run_scoped3A : memref<!tpu.dma_semaphore, #tpu.memory_space<semaphore_mem>>) src(%arg6 : memref<50x8x128xf32, #tpu.memory_space<vmem>>) dst(%dma_wait3A_63 : memref<50x8x128xf32, #tpu.memory_space<hbm>>)
        tpu.yield
      }) : () -> ()
      %add3A_36 = arith.constant 2 : i32
      %add3A_37 = arith.addi %mul3A_17, %add3A_36 : i32
      %lt3A = arith.constant 32 : i32
      %lt3A_38 = arith.cmpi slt, %add3A_37, %lt3A : i32
      %convert_element_type3A = arith.extui %lt3A_38 : i1 to i32
      %cond3A = arith.constant 0 : i32
      %cond3A_39 = arith.cmpi ne, %convert_element_type3A, %cond3A : i32
      scf.if %cond3A_39 {
        %add3A_52 = arith.constant 2 : i32
        %add3A_53 = arith.addi %mul3A_17, %add3A_52 : i32
        %dma_start3A_54 = arith.constant 0 : i32
        %dma_start3A_55 = tpu.memref_slice %arg5[%add3A_53, %dma_start3A_54] : memref<32x50xi32, #tpu.memory_space<vmem>> -> memref<1x50xi32, #tpu.memory_space<vmem>>
        %dma_start3A_56 = tpu.memref_squeeze %dma_start3A_55 : memref<1x50xi32, #tpu.memory_space<vmem>> -> memref<50xi32, #tpu.memory_space<vmem>>
        %dma_start3A_57 = arith.constant 0 : i32
        %dma_start3A_58 = arith.constant 0 : i32
        %dma_start3A_59 = arith.constant 0 : i32
        %dma_start3A_60 = tpu.memref_slice %arg2[%dma_start3A_57, %dma_start3A_58, %dma_start3A_59] : memref<1000x8x128xf32, #tpu.memory_space<hbm>> -> memref<1000x8x128xf32, #tpu.memory_space<hbm>>
        tpu.enqueue_indirect_dma source(%dma_start3A_60 : memref<1000x8x128xf32, #tpu.memory_space<hbm>>) target(%arg6 : memref<50x8x128xf32, #tpu.memory_space<vmem>>) offsets(%dma_start3A_56 : memref<50xi32, #tpu.memory_space<vmem>>) semaphore(%arg8 : memref<!tpu.dma_semaphore, #tpu.memory_space<semaphore_mem>>)
      } else {
      }
      %add3A_40 = arith.constant 1 : i32
      %add3A_41 = arith.addi %mul3A_17, %add3A_40 : i32
      %dma_wait3A_42 = arith.constant 0 : i32
      %dma_wait3A_43 = tpu.memref_slice %arg5[%add3A_41, %dma_wait3A_42] : memref<32x50xi32, #tpu.memory_space<vmem>> -> memref<1x50xi32, #tpu.memory_space<vmem>>
      %dma_wait3A_44 = tpu.memref_squeeze %dma_wait3A_43 : memref<1x50xi32, #tpu.memory_space<vmem>> -> memref<50xi32, #tpu.memory_space<vmem>>
      %dma_wait3A_45 = arith.constant 0 : i32
      %dma_wait3A_46 = arith.constant 0 : i32
      %dma_wait3A_47 = arith.constant 0 : i32
      %dma_wait3A_48 = tpu.memref_slice %arg2[%dma_wait3A_45, %dma_wait3A_46, %dma_wait3A_47] : memref<1000x8x128xf32, #tpu.memory_space<hbm>> -> memref<1000x8x128xf32, #tpu.memory_space<hbm>>
      tpu.wait_indirect_dma semaphore(%arg9 : memref<!tpu.dma_semaphore, #tpu.memory_space<semaphore_mem>>) src(%dma_wait3A_48 : memref<1000x8x128xf32, #tpu.memory_space<hbm>>) dst(%arg7 : memref<50x8x128xf32, #tpu.memory_space<vmem>>)
      %add3A_49 = arith.addi %mul3A_2, %add3A_41 : i32
      %mul3A_50 = arith.constant 50 : i32
      %mul3A_51 = arith.muli %add3A_49, %mul3A_50 : i32
      "tpu.region"() ({
        %run_scoped3A = tpu.sem_alloc : memref<!tpu.dma_semaphore, #tpu.memory_space<semaphore_mem>>
        %dma_start3A_52 = arith.constant 0 : i32
        %dma_start3A_53 = arith.constant 0 : i32
        %dma_start3A_54 = tpu.memref_slice %arg4[%mul3A_51, %dma_start3A_52, %dma_start3A_53] : memref<51200x8x128xf32, #tpu.memory_space<hbm>> -> memref<50x8x128xf32, #tpu.memory_space<hbm>>
        %dma_start3A_55 = arith.constant 0 : i32
        %dma_start3A_56 = arith.constant 0 : i32
        %dma_start3A_57 = tpu.memref_slice %arg4[%mul3A_51, %dma_start3A_55, %dma_start3A_56] : memref<51200x8x128xf32, #tpu.memory_space<hbm>> -> memref<50x8x128xf32, #tpu.memory_space<hbm>>
        tpu.enqueue_dma source(%arg7 : memref<50x8x128xf32, #tpu.memory_space<vmem>>) target(%dma_start3A_57 : memref<50x8x128xf32, #tpu.memory_space<hbm>>) target_semaphore(%run_scoped3A : memref<!tpu.dma_semaphore, #tpu.memory_space<semaphore_mem>>)
        %dma_wait3A_58 = arith.constant 0 : i32
        %dma_wait3A_59 = arith.constant 0 : i32
        %dma_wait3A_60 = tpu.memref_slice %arg4[%mul3A_51, %dma_wait3A_58, %dma_wait3A_59] : memref<51200x8x128xf32, #tpu.memory_space<hbm>> -> memref<50x8x128xf32, #tpu.memory_space<hbm>>
        %dma_wait3A_61 = arith.constant 0 : i32
        %dma_wait3A_62 = arith.constant 0 : i32
        %dma_wait3A_63 = tpu.memref_slice %arg4[%mul3A_51, %dma_wait3A_61, %dma_wait3A_62] : memref<51200x8x128xf32, #tpu.memory_space<hbm>> -> memref<50x8x128xf32, #tpu.memory_space<hbm>>
        tpu.wait_dma2 semaphore(%run_scoped3A : memref<!tpu.dma_semaphore, #tpu.memory_space<semaphore_mem>>) src(%arg7 : memref<50x8x128xf32, #tpu.memory_space<vmem>>) dst(%dma_wait3A_63 : memref<50x8x128xf32, #tpu.memory_space<hbm>>)
        tpu.yield
      }) : () -> ()
    }
    %scan3A_14 = arith.constant 16 : i32
    return
  }
}

module attributes {stable_mosaic.version = 14 : i64} {
  func.func @_m_body(%arg0: memref<1000x1000xf32, #tpu.memory_space<vmem>>, %arg1: memref<1000x1000xf32, #tpu.memory_space<vmem>>) attributes {dimension_semantics = [], scalar_prefetch = 0 : i64, scratch_operands = 0 : i64, tpu.core_type = #tpu.core_type<tc>} {
    %get3A = arith.constant 0 : index
    %get3A_0 = arith.constant 0 : index
    %get3A_1 = vector.load %arg0[%get3A, %get3A_0] : memref<1000x1000xf32, #tpu.memory_space<vmem>>, vector<1000x1000xf32>
    %reduce_max3A = arith.constant dense<0xFF800000> : vector<1000xf32>
    %reduce_max3A_2 = vector.multi_reduction <maximumf>, %get3A_1, %reduce_max3A [1] : vector<1000x1000xf32> to vector<1000xf32>
    %broadcast_in_dim3A = vector.shape_cast %reduce_max3A_2 : vector<1000xf32> to vector<1000x1xf32>
    %sub3A = vector.broadcast %broadcast_in_dim3A : vector<1000x1xf32> to vector<1000x1000xf32>
    %sub3A_3 = arith.subf %get3A_1, %sub3A : vector<1000x1000xf32>
    %exp3A = math.exp %sub3A_3 : vector<1000x1000xf32>
    %reduce_sum3A = arith.constant dense<0.000000e+00> : vector<1000xf32>
    %reduce_sum3A_4 = vector.multi_reduction <add>, %exp3A, %reduce_sum3A [1] : vector<1000x1000xf32> to vector<1000xf32>
    %log3A = math.log %reduce_sum3A_4 : vector<1000xf32>
    %add3A = arith.addf %log3A, %reduce_max3A_2 : vector<1000xf32>
    %broadcast_in_dim3A_5 = vector.shape_cast %add3A : vector<1000xf32> to vector<1000x1xf32>
    %sub3A_6 = vector.broadcast %broadcast_in_dim3A_5 : vector<1000x1xf32> to vector<1000x1000xf32>
    %sub3A_7 = arith.subf %sub3A_6, %get3A_1 : vector<1000x1000xf32>
    %swap3A = arith.constant 0 : index
    %swap3A_8 = arith.constant 0 : index
    %swap3A_9 = vector.load %arg1[%swap3A, %swap3A_8] : memref<1000x1000xf32, #tpu.memory_space<vmem>>, vector<1000x1000xf32>
    tpu.vector_store %arg1[%swap3A, %swap3A_8], %sub3A_7 {strides = array<i32>} : memref<1000x1000xf32, #tpu.memory_space<vmem>>, vector<1000x1000xf32>,
    return
  }
}

module attributes {stable_mosaic.version = 14 : i64} {
  func.func @_relayout_body(%arg0: i32, %arg1: memref<1024x1x8x128xf32, #tpu.memory_space<vmem>>, %arg2: memref<1x1000x1024xf32, #tpu.memory_space<vmem>>) attributes {dimension_semantics = [#tpu.dimension_semantics<arbitrary>], iteration_bounds = array<i64: 50>, scalar_prefetch = 0 : i64, scratch_operands = 0 : i64, tpu.core_type = #tpu.core_type<tc>, window_params = [{transform_indices = @transform_0, window_bounds = array<i64: 1024, 1, 8, 128>}, {transform_indices = @transform_1, window_bounds = array<i64: 1, 1000, 1024>}]} {
    %get3A = arith.constant 0 : index
    %get3A_0 = arith.constant 0 : index
    %get3A_1 = arith.constant 0 : index
    %get3A_2 = arith.constant 0 : index
    %get3A_3 = vector.load %arg1[%get3A, %get3A_0, %get3A_1, %get3A_2] : memref<1024x1x8x128xf32, #tpu.memory_space<vmem>>, vector<1024x1x1x128xf32>
    %get3A_4 = vector.shape_cast %get3A_3 : vector<1024x1x1x128xf32> to vector<1024x128xf32>
    %transpose3A = tpu.transpose %get3A_4, [1, 0] : vector<1024x128xf32> -> vector<128x1024xf32>
    %swap3A = arith.constant 0 : index
    %swap3A_5 = arith.constant 0 : index
    %swap3A_6 = arith.constant 0 : index
    %swap3A_7 = vector.load %arg2[%swap3A, %swap3A_5, %swap3A_6] : memref<1x1000x1024xf32, #tpu.memory_space<vmem>>, vector<1x128x1024xf32>
    %swap3A_8 = vector.shape_cast %swap3A_7 : vector<1x128x1024xf32> to vector<128x1024xf32>
    %swap3A_9 = vector.shape_cast %transpose3A : vector<128x1024xf32> to vector<1x128x1024xf32>
    tpu.vector_store %arg2[%swap3A, %swap3A_5, %swap3A_6], %swap3A_9 {strides = array<i32>} : memref<1x1000x1024xf32, #tpu.memory_space<vmem>>, vector<1x128x1024xf32>,
    %get3A_10 = arith.constant 0 : index
    %get3A_11 = arith.constant 0 : index
    %get3A_12 = arith.constant 1 : index
    %get3A_13 = arith.constant 0 : index
    %get3A_14 = vector.load %arg1[%get3A_10, %get3A_11, %get3A_12, %get3A_13] : memref<1024x1x8x128xf32, #tpu.memory_space<vmem>>, vector<1024x1x1x128xf32>
    %get3A_15 = vector.shape_cast %get3A_14 : vector<1024x1x1x128xf32> to vector<1024x128xf32>
    %transpose3A_16 = tpu.transpose %get3A_15, [1, 0] : vector<1024x128xf32> -> vector<128x1024xf32>
    %swap3A_17 = arith.constant 0 : index
    %swap3A_18 = arith.constant 128 : index
    %swap3A_19 = arith.constant 0 : index
    %swap3A_20 = vector.load %arg2[%swap3A_17, %swap3A_18, %swap3A_19] : memref<1x1000x1024xf32, #tpu.memory_space<vmem>>, vector<1x128x1024xf32>
    %swap3A_21 = vector.shape_cast %swap3A_20 : vector<1x128x1024xf32> to vector<128x1024xf32>
    %swap3A_22 = vector.shape_cast %transpose3A_16 : vector<128x1024xf32> to vector<1x128x1024xf32>
    tpu.vector_store %arg2[%swap3A_17, %swap3A_18, %swap3A_19], %swap3A_22 {strides = array<i32>} : memref<1x1000x1024xf32, #tpu.memory_space<vmem>>, vector<1x128x1024xf32>,
    %get3A_23 = arith.constant 0 : index
    %get3A_24 = arith.constant 0 : index
    %get3A_25 = arith.constant 2 : index
    %get3A_26 = arith.constant 0 : index
    %get3A_27 = vector.load %arg1[%get3A_23, %get3A_24, %get3A_25, %get3A_26] : memref<1024x1x8x128xf32, #tpu.memory_space<vmem>>, vector<1024x1x1x128xf32>
    %get3A_28 = vector.shape_cast %get3A_27 : vector<1024x1x1x128xf32> to vector<1024x128xf32>
    %transpose3A_29 = tpu.transpose %get3A_28, [1, 0] : vector<1024x128xf32> -> vector<128x1024xf32>
    %swap3A_30 = arith.constant 0 : index
    %swap3A_31 = arith.constant 256 : index
    %swap3A_32 = arith.constant 0 : index
    %swap3A_33 = vector.load %arg2[%swap3A_30, %swap3A_31, %swap3A_32] : memref<1x1000x1024xf32, #tpu.memory_space<vmem>>, vector<1x128x1024xf32>
    %swap3A_34 = vector.shape_cast %swap3A_33 : vector<1x128x1024xf32> to vector<128x1024xf32>
    %swap3A_35 = vector.shape_cast %transpose3A_29 : vector<128x1024xf32> to vector<1x128x1024xf32>
    tpu.vector_store %arg2[%swap3A_30, %swap3A_31, %swap3A_32], %swap3A_35 {strides = array<i32>} : memref<1x1000x1024xf32, #tpu.memory_space<vmem>>, vector<1x128x1024xf32>,
    %get3A_36 = arith.constant 0 : index
    %get3A_37 = arith.constant 0 : index
    %get3A_38 = arith.constant 3 : index
    %get3A_39 = arith.constant 0 : index
    %get3A_40 = vector.load %arg1[%get3A_36, %get3A_37, %get3A_38, %get3A_39] : memref<1024x1x8x128xf32, #tpu.memory_space<vmem>>, vector<1024x1x1x128xf32>
    %get3A_41 = vector.shape_cast %get3A_40 : vector<1024x1x1x128xf32> to vector<1024x128xf32>
    %transpose3A_42 = tpu.transpose %get3A_41, [1, 0] : vector<1024x128xf32> -> vector<128x1024xf32>
    %swap3A_43 = arith.constant 0 : index
    %swap3A_44 = arith.constant 384 : index
    %swap3A_45 = arith.constant 0 : index
    %swap3A_46 = vector.load %arg2[%swap3A_43, %swap3A_44, %swap3A_45] : memref<1x1000x1024xf32, #tpu.memory_space<vmem>>, vector<1x128x1024xf32>
    %swap3A_47 = vector.shape_cast %swap3A_46 : vector<1x128x1024xf32> to vector<128x1024xf32>
    %swap3A_48 = vector.shape_cast %transpose3A_42 : vector<128x1024xf32> to vector<1x128x1024xf32>
    tpu.vector_store %arg2[%swap3A_43, %swap3A_44, %swap3A_45], %swap3A_48 {strides = array<i32>} : memref<1x1000x1024xf32, #tpu.memory_space<vmem>>, vector<1x128x1024xf32>,
    %get3A_49 = arith.constant 0 : index
    %get3A_50 = arith.constant 0 : index
    %get3A_51 = arith.constant 4 : index
    %get3A_52 = arith.constant 0 : index
    %get3A_53 = vector.load %arg1[%get3A_49, %get3A_50, %get3A_51, %get3A_52] : memref<1024x1x8x128xf32, #tpu.memory_space<vmem>>, vector<1024x1x1x128xf32>
    %get3A_54 = vector.shape_cast %get3A_53 : vector<1024x1x1x128xf32> to vector<1024x128xf32>
    %transpose3A_55 = tpu.transpose %get3A_54, [1, 0] : vector<1024x128xf32> -> vector<128x1024xf32>
    %swap3A_56 = arith.constant 0 : index
    %swap3A_57 = arith.constant 512 : index
    %swap3A_58 = arith.constant 0 : index
    %swap3A_59 = vector.load %arg2[%swap3A_56, %swap3A_57, %swap3A_58] : memref<1x1000x1024xf32, #tpu.memory_space<vmem>>, vector<1x128x1024xf32>
    %swap3A_60 = vector.shape_cast %swap3A_59 : vector<1x128x1024xf32> to vector<128x1024xf32>
    %swap3A_61 = vector.shape_cast %transpose3A_55 : vector<128x1024xf32> to vector<1x128x1024xf32>
    tpu.vector_store %arg2[%swap3A_56, %swap3A_57, %swap3A_58], %swap3A_61 {strides = array<i32>} : memref<1x1000x1024xf32, #tpu.memory_space<vmem>>, vector<1x128x1024xf32>,
    %get3A_62 = arith.constant 0 : index
    %get3A_63 = arith.constant 0 : index
    %get3A_64 = arith.constant 5 : index
    %get3A_65 = arith.constant 0 : index
    %get3A_66 = vector.load %arg1[%get3A_62, %get3A_63, %get3A_64, %get3A_65] : memref<1024x1x8x128xf32, #tpu.memory_space<vmem>>, vector<1024x1x1x128xf32>
    %get3A_67 = vector.shape_cast %get3A_66 : vector<1024x1x1x128xf32> to vector<1024x128xf32>
    %transpose3A_68 = tpu.transpose %get3A_67, [1, 0] : vector<1024x128xf32> -> vector<128x1024xf32>
    %swap3A_69 = arith.constant 0 : index
    %swap3A_70 = arith.constant 640 : index
    %swap3A_71 = arith.constant 0 : index
    %swap3A_72 = vector.load %arg2[%swap3A_69, %swap3A_70, %swap3A_71] : memref<1x1000x1024xf32, #tpu.memory_space<vmem>>, vector<1x128x1024xf32>
    %swap3A_73 = vector.shape_cast %swap3A_72 : vector<1x128x1024xf32> to vector<128x1024xf32>
    %swap3A_74 = vector.shape_cast %transpose3A_68 : vector<128x1024xf32> to vector<1x128x1024xf32>
    tpu.vector_store %arg2[%swap3A_69, %swap3A_70, %swap3A_71], %swap3A_74 {strides = array<i32>} : memref<1x1000x1024xf32, #tpu.memory_space<vmem>>, vector<1x128x1024xf32>,
    %get3A_75 = arith.constant 0 : index
    %get3A_76 = arith.constant 0 : index
    %get3A_77 = arith.constant 6 : index
    %get3A_78 = arith.constant 0 : index
    %get3A_79 = vector.load %arg1[%get3A_75, %get3A_76, %get3A_77, %get3A_78] : memref<1024x1x8x128xf32, #tpu.memory_space<vmem>>, vector<1024x1x1x128xf32>
    %get3A_80 = vector.shape_cast %get3A_79 : vector<1024x1x1x128xf32> to vector<1024x128xf32>
    %transpose3A_81 = tpu.transpose %get3A_80, [1, 0] : vector<1024x128xf32> -> vector<128x1024xf32>
    %swap3A_82 = arith.constant 0 : index
    %swap3A_83 = arith.constant 768 : index
    %swap3A_84 = arith.constant 0 : index
    %swap3A_85 = vector.load %arg2[%swap3A_82, %swap3A_83, %swap3A_84] : memref<1x1000x1024xf32, #tpu.memory_space<vmem>>, vector<1x128x1024xf32>
    %swap3A_86 = vector.shape_cast %swap3A_85 : vector<1x128x1024xf32> to vector<128x1024xf32>
    %swap3A_87 = vector.shape_cast %transpose3A_81 : vector<128x1024xf32> to vector<1x128x1024xf32>
    tpu.vector_store %arg2[%swap3A_82, %swap3A_83, %swap3A_84], %swap3A_87 {strides = array<i32>} : memref<1x1000x1024xf32, #tpu.memory_space<vmem>>, vector<1x128x1024xf32>,
    %get3A_88 = arith.constant 0 : index
    %get3A_89 = arith.constant 0 : index
    %get3A_90 = arith.constant 7 : index
    %get3A_91 = arith.constant 0 : index
    %get3A_92 = vector.load %arg1[%get3A_88, %get3A_89, %get3A_90, %get3A_91] : memref<1024x1x8x128xf32, #tpu.memory_space<vmem>>, vector<1024x1x1x128xf32>
    %get3A_93 = vector.shape_cast %get3A_92 : vector<1024x1x1x128xf32> to vector<1024x128xf32>
    %transpose3A_94 = tpu.transpose %get3A_93, [1, 0] : vector<1024x128xf32> -> vector<128x1024xf32>
    %slice3A = vector.extract_strided_slice %transpose3A_94 {offsets = [0, 0], sizes = [104, 1024], strides = [1, 1]} : vector<128x1024xf32> to vector<104x1024xf32>
    %swap3A_95 = arith.constant 0 : index
    %swap3A_96 = arith.constant 896 : index
    %swap3A_97 = arith.constant 0 : index
    %swap3A_98 = vector.load %arg2[%swap3A_95, %swap3A_96, %swap3A_97] : memref<1x1000x1024xf32, #tpu.memory_space<vmem>>, vector<1x104x1024xf32>
    %swap3A_99 = vector.shape_cast %swap3A_98 : vector<1x104x1024xf32> to vector<104x1024xf32>
    %swap3A_100 = vector.shape_cast %slice3A : vector<104x1024xf32> to vector<1x104x1024xf32>
    tpu.vector_store %arg2[%swap3A_95, %swap3A_96, %swap3A_97], %swap3A_100 {strides = array<i32>} : memref<1x1000x1024xf32, #tpu.memory_space<vmem>>, vector<1x104x1024xf32>,
    return
  }
  func.func @transform_0(%arg0: i32) -> (i32, i32, i32, i32) {
    %c0_i32 = arith.constant 0 : i32
    %c0_i32_0 = arith.constant 0 : i32
    %c0_i32_1 = arith.constant 0 : i32
    %c0_i32_2 = arith.constant 0 : i32
    return %c0_i32, %arg0, %c0_i32_0, %c0_i32_1 : i32, i32, i32, i32
  }
  func.func @transform_1(%arg0: i32) -> (i32, i32, i32) {
    %c0_i32 = arith.constant 0 : i32
    %c0_i32_0 = arith.constant 0 : i32
    %c0_i32_1 = arith.constant 0 : i32
    return %arg0, %c0_i32, %c0_i32_0 : i32, i32, i32
  }
}

</mosaic_0001>

<sc_bundles>
// kernel: kernel.6.cloned.1.call-start
scs
__scs_entry_jumppad:
0x0: {  	(pc) =	sbr.rel $0x88, $3  }
0x1: {  	(tag) =	ssettag $0x0;
	lr =	simm.s32 $0x1  }
0x2: {  	[smem:$0x3F9E] =	sst lr;
	_ =	strace $0xD0000000  }
0x3: {  	_ = 	snop  }
0x4: {  	_ = 	snop  }
0x5: {  	_ = 	snop  }
0x6: {  	_ = 	snop  }
0x7: {  	_ = 	snop  }
__scs_overlays_trampoline_lowered:
0x8: {  	[smem:$0x3FAD] =	sst s0  }
0x9: {  	[smem:$0x3FAE] =	sst s1  }
0xa: {  	[smem:$0x3FAF] =	sst s2  }
0xb: {  	[smem:$0x3FB0] =	sst s3  }
0xc: {  	[smem:$0x3FB1] =	sst s4  }
0xd: {  	[smem:$0x3FB2] =	sst s5  }
0xe: {  	[smem:$0x3FB3] =	sst s6  }
0xf: {  	[smem:$0x3FB4] =	sst s7  }
0x10: {  	[smem:$0x3FB5] =	sst s8  }
0x11: {  	[smem:$0x3FB6] =	sst s9;
	s0 =	simm.s32 @!p0 $0x0  }
0x12: {  	s1 =	sld [smem:$0x3F9C];
	s0 =	simm.s32 @p0 $0x1  }
0x13: {  	[smem:$0x3FB7] =	sst s0;
	s0 =	simm.s32 @!p1 $0x0  }
0x14: {  	s2 =	sld [smem:$0x3F9B];
	s0 =	simm.s32 @p1 $0x1  }
0x15: {  	[smem:$0x3FB8] =	sst s0;
	s0 =	simm.s32 @!p2 $0x0  }
0x16: {  	s3 =	sld [smem:$0x3FDB];
	s0 =	simm.s32 @p2 $0x1  }
0x17: {  	s4 =	simm.s32 $0x1BF5;
	[smem:$0x3FBA] =	sst s0  }
0x18: {  	s0 =	sld [smem:$0x3F9D];
	_ =	swait.ge [sflag:s4], $0x0  }
0x19: {  	s7 =	sld [smem:$0x3F9E]  }
0x1a: {  	s8 =	sadd.s32 $0xFFFFE003, lr  }
0x1b: {  	s9 =	sadd.s32 $0xFFFFFEF7, lr;
	s5 =	simm.s32 $0xFFFFFFFF;
	p2 =	slt.u32 s8, $0xFFFFF086  }
0x1c: {  	p1 =	slt.u32 s9, $0xF7A;
	s5 =	simm.s32 @!p2 $0x0  }
0x1d: {  	s5 =	simm.s32 @p1 $0x1;
	p0 =	seq.s32 s7, s2  }
0x1e: {  	s7 =	smul.u32 @!p0 $0xF7A, s2;
	p2 =	seq.s32 @!p0 s5, $0x0  }
0x1f: {  	s9 =	smul.u32 $0xF7A, s1;
	s8 =	simm.s32 @!p0 $0x1BF5;
	p2 =	por !p2, p0  }
0x20: {  	[sflag:s8] =	ssyncset.s32 @!p0 $0xFFFFF086;
	s6 =	sadd.s32 @!p0 s3, s7;
	s7 =	simm.s32 @!p0 $0x108  }
0x21: {  	s3 =	sadd.s32 s3, s9;
	s6 =	sadd.s32 @!p0 $0x88, s6;
	s7 =	simm.s32 @p2 $0x1082  }
0x22: {  	[simem:s7], [sflag:s8] =	dma.local @!p0 [hbm:s6], $0xF7A  }
0x23: {  	s9 =	sor.u32 $0xD0000000, s2;
	s6 =	simm.s32 $0x108;
	_ =	swait.ge @!p0 [sflag:s8], $0x0  }
0x24: {  	s3 =	sadd.s32 $0x88, s3;
	s6 =	simm.s32 @!p1 $0x1082;
	[sflag:s4] =	ssyncset.s32 $0xFFFFF086  }
0x25: {  	[simem:s6], [sflag:s4] =	dma.local [hbm:s3], $0xF7A  }
0x26: {  	[smem:$0x3F9E] =	sst s1;
	(tag) =	ssettag s2;
	_ =	strace s9  }
0x27: {  	s1 =	sld [smem:$0x3FAE]  }
0x28: {  	s2 =	sld [smem:$0x3FAF]  }
0x29: {  	s4 =	sld [smem:$0x3FB1]  }
0x2a: {  	p0 =	seq.s32 s5, $0x0;
	s5 =	sld [smem:$0x3FB2]  }
0x2b: {  	s6 =	sld [smem:$0x3FB3]  }
0x2c: {  	s7 =	sld [smem:$0x3FB4]  }
0x2d: {  	s3 =	simm.s32 $0x108;
	s8 =	sld [smem:$0x3FB5]  }
0x2e: {  	s3 =	simm.s32 @!p0 $0x1082;
	s9 =	sld [smem:$0x3FB6]  }
0x2f: {  	lr =	sadd.s32 s0, s3;
	s0 =	sld [smem:$0x3FAD]  }
0x30: {  	s3 =	sld [smem:$0x3FB0]  }
0x31: {  	[smem:$0x3FB9] =	sst s10  }
0x32: {  	s10 =	sld [smem:$0x3FB7];
	_ =	sdelay $0x3  }
0x33: {  	p0 =	seq.s32 s10, $0x1;
	s10 =	sld [smem:$0x3FB9];
	_ =	sdelay $0x3  }
0x34: {  	[smem:$0x3FB9] =	sst s10  }
0x35: {  	s10 =	sld [smem:$0x3FB8];
	_ =	sdelay $0x3  }
0x36: {  	p1 =	seq.s32 s10, $0x1;
	s10 =	sld [smem:$0x3FB9];
	_ =	sdelay $0x3  }
0x37: {  	[smem:$0x3FB9] =	sst s10  }
0x38: {  	s10 =	sld [smem:$0x3FBA]  }
0x39: {  	_ = 	snop;
	(pc) =	sbr.ind lr, $3  }
0x3a: {  	_ = 	snop  }
0x3b: {  	_ = 	snop  }
0x3c: {  	p2 =	seq.s32 s10, $0x1;
	s10 =	sld [smem:$0x3FB9]  }
0x3d: {  	_ =	shalt  }
0x3e: {  	_ =	shalt  }
0x3f: {  	_ =	shalt  }
0x40: {  	_ =	shalt  }
0x41: {  	_ =	shalt  }
0x42: {  	_ =	shalt  }
0x43: {  	_ =	shalt  }
0x44: {  	_ =	shalt  }
0x45: {  	_ =	shalt  }
0x46: {  	_ =	shalt  }
0x47: {  	_ =	shalt  }
0x48: {  	_ =	shalt  }
0x49: {  	_ =	shalt  }
0x4a: {  	_ =	shalt  }
0x4b: {  	_ =	shalt  }
0x4c: {  	_ =	shalt  }
0x4d: {  	_ =	shalt  }
0x4e: {  	_ =	shalt  }
0x4f: {  	_ =	shalt  }
0x50: {  	_ =	shalt  }
0x51: {  	_ =	shalt  }
0x52: {  	_ =	shalt  }
0x53: {  	_ =	shalt  }
0x54: {  	_ =	shalt  }
0x55: {  	_ =	shalt  }
0x56: {  	_ =	shalt  }
0x57: {  	_ =	shalt  }
0x58: {  	_ =	shalt  }
0x59: {  	_ =	shalt  }
0x5a: {  	_ =	shalt  }
0x5b: {  	_ =	shalt  }
0x5c: {  	_ =	shalt  }
0x5d: {  	_ =	shalt  }
0x5e: {  	_ =	shalt  }
0x5f: {  	_ =	shalt  }
0x60: {  	_ =	shalt  }
0x61: {  	_ =	shalt  }
0x62: {  	_ =	shalt  }
0x63: {  	_ =	shalt  }
0x64: {  	_ =	shalt  }
0x65: {  	_ =	shalt  }
0x66: {  	_ =	shalt  }
0x67: {  	_ =	shalt  }
0x68: {  	_ =	shalt  }
0x69: {  	_ =	shalt  }
0x6a: {  	_ =	shalt  }
0x6b: {  	_ =	shalt  }
0x6c: {  	_ =	shalt  }
0x6d: {  	_ =	shalt  }
0x6e: {  	_ =	shalt  }
0x6f: {  	_ =	shalt  }
0x70: {  	_ =	shalt  }
0x71: {  	_ =	shalt  }
0x72: {  	_ =	shalt  }
0x73: {  	_ =	shalt  }
0x74: {  	_ =	shalt  }
0x75: {  	_ =	shalt  }
0x76: {  	_ =	shalt  }
0x77: {  	_ =	shalt  }
0x78: {  	_ =	shalt  }
0x79: {  	_ =	shalt  }
0x7a: {  	_ =	shalt  }
0x7b: {  	_ =	shalt  }
0x7c: {  	_ =	shalt  }
0x7d: {  	_ =	shalt  }
0x7e: {  	_ =	shalt  }
0x7f: {  	_ =	shalt  }
0x80: {  	_ =	shalt  }
0x81: {  	_ =	shalt  }
0x82: {  	_ =	shalt  }
0x83: {  	_ =	shalt  }
0x84: {  	_ =	shalt  }
0x85: {  	_ =	shalt  }
0x86: {  	_ =	shalt  }
0x87: {  	_ =	shalt  }
.Lfunc_end0:
.L_simem_size_0:
called_computation_lowered:
.L_overlay_start_0:
0x88: {  	s2 =	sld [smem:$0x3FD9]  }
0x89: {  	s3 =	sld [smem:$0x3FFE];
	_ =	sdelay $0x1  }
0x8a: {  	s1 =	srdreg.scid  }
0x8b: {  	s0 =	sand.u32 $0x1, s1  }
0x8c: {  	s15 =	sshll.u32 s0, $0xA;
	s2 =	sadd.s32 s3, s2  }
0x8d: {  	s2 =	sadd.s32 s2, s15  }
0x8e: {  	[smem:$0x3FC5] =	sst s2  }
0x8f: {  	_ = 	snop  }
0x90: {  	s2 =	sld [smem:$0x3FD0];
	_ =	sdelay $0x2  }
0x91: {  	s16 =	simm.s32 $0xB;
	s4 =	simm.s32 $0x10  }
0x92: {  	[smem:s4], [sflag:s16] =	dma.local [hbm:s2], $0x1  }
0x93: {  	_ =	swait.eq [sflag:s16], $0x1  }
0x94: {  	[sflag:s16] =	ssyncset.done $0x0  }
0x95: {  	[sflag:s16] =	ssyncadd.s32 $0xFFFFFFFF  }
0x96: {  	s17 =	sld [smem:$0x10];
	(tm) =	ssettm $0x1  }
0x97: {  	s18 =	sld [smem:$0x3FFB];
	_ =	sdelay $0x3  }
0x98: {  	_ =	strace s18  }
0x99: {  	s2 =	sld [smem:$0x3FFC];
	_ =	sdelay $0x3  }
0x9a: {  	_ =	strace s2  }
0x9b: {  	s2 =	sld [smem:$0x3FFD];
	_ =	sdelay $0x3  }
0x9c: {  	_ =	strace s2  }
0x9d: {  	_ =	strace $0x8FFFFFFF  }
0x9e: {  	s19 =	sld [smem:$0x3FDB];
	_ =	sdelay $0x1  }
0x9f: {  	s20 =	simm.s32 $_scs_section_size  }
0xa0: {  	s5 =	simm.s32 $_size__tile_overlayer_lowered;
	s6 =	simm.s32 $_tile_overlayer_lowered  }
0xa1: {  	s7 =	simm.s32 $0x1BFF;
	s21 =	sshll.u32 s6, $0x1;
	s4 =	sadd.s32 s20, s19  }
0xa2: {  	s22 =	simm.s32 $0x0;
	s5 =	sshll.u32 s5, $0x1;
	s6 =	sadd.s32 s21, s4  }
0xa3: {  	[timem:s22], [sflag:s7] =	dma.local [hbm:s6], s5  }
0xa4: {  	_ =	swait.ge [sflag:s7], s5  }
0xa5: {  	s5 =	ssub.s32 $0x0, s5;
	[sflag:s7] =	ssyncset.done $0x0  }
0xa6: {  	[sflag:s7] =	ssyncadd.s32 s5;
	_ =	sdelay $0x1  }
0xa7: {  	s23 =	simm.s32 $0x1B8B  }
0xa8: {  	_ =	swait.ge [sflag:s23], $0x1  }
0xa9: {  	[sflag:s23] =	ssyncset.done $0x0  }
0xaa: {  	[sflag:s23] =	ssyncadd.s32 $0xFFFFFFFF  }
0xab: {  	s5 =	sld [smem:$0x0]  }
0xac: {  	s6 =	sand.u32 $0xFFFFFFFE, s1  }
0xad: {  	p0 =	sne.s32 s1, s6  }
0xae: {  	s6 =	sshll.u32 @p0 s6, $0xE  }
0xaf: {  	s6 =	sadd.s32 @p0 $0x11B8D, s6;
	s7 =	sshll.u32 @p0 s5, $0x11  }
0xb0: {  	s6 =	sor.u32 @p0 s7, s6  }
0xb1: {  	[sflag:s6] =	ssyncadd.remote.s32 @p0 $0x1;
	_ =	sdelay $0x1  }
0xb2: {  	s6 =	simm.s32 @p0 $0x1B8D  }
0xb3: {  	_ =	swait.eq @p0 [sflag:s6], $0x1  }
0xb4: {  	[sflag:s6] =	ssyncadd.s32 @p0 $0xFFFFFFFF  }
0xb5: {  	s7 =	sshll.u32 @!p0 s1, $0xE  }
0xb6: {  	s7 =	sor.u32 @!p0 $0x4000, s7;
	s6 =	simm.s32 @!p0 $0x1B8D  }
0xb7: {  	s5 =	sshll.u32 @!p0 s5, $0x11;
	s7 =	sadd.s32 @!p0 $0x11B8D, s7;
	_ =	swait.eq @!p0 [sflag:s6], $0x1  }
0xb8: {  	s5 =	sor.u32 @!p0 s5, s7;
	[sflag:s6] =	ssyncadd.s32 @!p0 $0xFFFFFFFF  }
0xb9: {  	s25 =	simm.s32 $0x1B8E;
	s24 =	sld [smem:$0x3FFE];
	[sflag:s5] =	ssyncadd.remote.s32 @!p0 $0x1  }
0xba: {  	s26 =	simm.s32 $execute0_lowered;
	[smem:$0x3FD2] =	sst s25  }
0xbb: {  	s6 =	sshll.u32 s26, $0x1;
	_ =	strace $0x80000049;
	[dreg:$0x1] =	wrdreg $0xFFFFFFFF  }
0xbc: {  	s28 =	simm.s32 $_size_execute0_lowered;
	s4 =	sadd.s32 s4, s6;
	[dreg:$0x0] =	wrdreg $0x0  }
0xbd: {  	s6 =	sshll.u32 s28, $0x1;
	[dreg:$0x2] =	wrdreg s4  }
0xbe: {  	[dreg:$0x3] =	wrdreg s6  }
0xbf: {  	[dreg:$0x4] =	wrdreg $0xC0  }
0xc0: {  	_ =	task [dreg:s22], $0x5FFFF  }
0xc1: {  	[dreg:$0x1] =	wrdreg $0xFFFFFFFF  }
0xc2: {  	[dreg:$0x0] =	wrdreg $0x60  }
0xc3: {  	[dreg:$0x2] =	wrdreg s17  }
0xc4: {  	[dreg:$0x3] =	wrdreg s24  }
0xc5: {  	[dreg:$0x4] =	wrdreg $0x9  }
0xc6: {  	_ =	task.clear_ibuf [dreg:s22], $0x5FFFF;
	_ =	strace $0x90000049  }
0xc7: {  	s29 =	simm.s32 $0x9;
	_ =	strace $0x8000004B  }
0xc8: {  	_ =	swait.ge [sflag:s29], $0x1  }
0xc9: {  	[sflag:s29] =	ssyncadd.s32 $0xFFFFFFFF  }
0xca: {  	_ =	strace $0x9000004B  }
0xcb: {  	_ =	sfence  }
0xcc: {  	s30 =	sld [smem:$0x0];
	_ =	sdelay $0x2  }
0xcd: {  	s31 =	sshll.u32 s1, $0xD;
	s1 =	sshrl.u32 s1, $0x2  }
0xce: {  	s4 =	sand.u32 $0x4000, s31;
	s1 =	sadd.s32 s1, s30  }
0xcf: {  	s0 =	sor.u32 s4, s0;
	s1 =	sshll.u32 s1, $0x11  }
0xd0: {  	s0 =	sor.u32 s1, s0  }
0xd1: {  	s0 =	sadd.s32 $0x8F2B, s0  }
0xd2: {  	[sflag:s0] =	ssyncadd.remote.s32 $0x1  }
0xd3: {  	_ =	sfence.sel $0xFFFF  }
0xd4: {  	[dreg:$0x0] =	wrdreg $0xFFFFFFFF;
	(pc) =	sbr.abs _section_cstart, $3  }
0xd5: {  	[dreg:$0x1] =	wrdreg $0xFFFFFFFF  }
0xd6: {  	_ =	task.clear_ibuf [dreg:s22], $0x2FFFF;
	_ =	strace $0x9FFFFFFF  }
0xd7: {  	(tm) =	ssettm $0x7FFFFFFF  }
tec
execute0_lowered:
.L_overlay_start_1:
0x0: {  	(tag) =	ssettag $0x1  }
0x1: {  	s1 =	srdreg.scid  }
0x2: {  	s2 =	rddreg [dreg:$0x0];
	s0 =	stileid.u32  }
0x3: {  	s4 =	rddreg [dreg:$0x1];
	s3 =	simm.s32 $0x0;
	s11 =	simm.s32 $0x1000  }
0x4: {  	s12 =	simm.s32 $0xD800;
	s13 =	simm.s32 $0x1;
	s14 =	simm.s32 $0x2  }
0x5: {  	s15 =	simm.s32 $0xF80;
	s6 =	sand.u32 $0x1, s1;
	s1 =	rddreg [dreg:$0x2]  }
0x6: {  	s16 =	simm.s32 $0x0;
	s5 =	sshll.u32 s0, $0x6;
	[smem:$0x7FF] =	sst s3  }
0x7: {  	s9 =	sadd.s32 $0x26C00, s4;
	s29 =	smul.u32 $0x64000, s0;
	s7 =	sshll.u32 s6, $0x5  }
0x8: {  	_ =	strace $0x8000004A;
	s8 =	ssub.s32 $0x2, s6;
	s5 =	sor.u32 s7, s5  }
0x9: {  	s31 =	smul.u32 $0x32000, s6;
	s26 =	sshrl.u32 s8, $0x1;
	s7 =	sshll.u32 s5, $0x4  }
0xa: {  	s10 =	smul.u32 $0x1900, s5;
	s28 =	ssub.s32 s8, s26;
	s8 =	sadd.s32 s29, s9  }
0xb: {  	s7 =	sadd.s32 s7, s4;
	s5 =	smax.u32 s28, $0x1;
	s8 =	sadd.s32 s31, s8  }
0xc: {  	s4 =	sadd.s32 $0x800, s7;
	s30 =	sadd.s32 s9, s10;
	s9 =	simm.s32 $0x3  }
0xd: {  	s10 =	simm.s32 $0x32;
	s6 =	sadd.s32 $0x2EE00, s30;
	s7 =	sadd.s32 $0x30700, s30  }
.LBB2_1:
0xe: {  	[tilespmem:s3], [sflag:$0x3] =	stream.linear.gather [hbm4b:s4+s3], $0x1000, $0x38;
	[tilespmem:$0x1A000] =	vst v63  }
0xf: {  	_ =	swait.ge [sflag:s9], $0x1000  }
0x10: {  	[sflag:s9] =	ssyncset.done $0x0  }
0x11: {  	[sflag:s9] =	ssyncadd.s32 $0xFFFFF000  }
0x12: {  	[tilespmem:s11], [sflag:$0x1] =	stream.indirect.gather [hbm4b:s2+s10], $0x400, s3, s10, $0xb8;
	[tilespmem:$0x1A000] =	vst v63  }
0x13: {  	s17 =	simm.s32 $0x80  }
0x14: {  	[tilespmem:s12], [sflag:$0x2] =	stream.indirect.gather [hbm4b:s2+s10], $0x400, s17, s10, $0xb8;
	[tilespmem:$0x1A000] =	vst v63  }
0x15: {  	_ =	swait.ge [sflag:s13], $0xC800  }
0x16: {  	[sflag:s13] =	ssyncset.done $0x0  }
0x17: {  	s18 =	sadd.s32 $0x0, s8;
	[sflag:s13] =	ssyncadd.s32 $0xFFFF3800  }
0x18: {  	[hbm4b:s18+s3] =	stream.linear.scatter [tilespmem:s11], [sflag:$0x3], $0xC800, $0x38;
	[tilespmem:$0x1A000] =	vst v63  }
0x19: {  	_ =	swait.ge [sflag:s9], $0xC800  }
0x1a: {  	[sflag:s9] =	ssyncset.done $0x0  }
0x1b: {  	s19 =	simm.s32 $0x100;
	[sflag:s9] =	ssyncadd.s32 $0xFFFF3800  }
0x1c: {  	[tilespmem:s11], [sflag:$0x1] =	stream.indirect.gather [hbm4b:s2+s10], $0x400, s19, s10, $0xb8;
	[tilespmem:$0x1A000] =	vst v63  }
0x1d: {  	_ =	swait.ge [sflag:s14], $0xC800  }
0x1e: {  	[sflag:s14] =	ssyncset.done $0x0  }
0x1f: {  	s18 =	sadd.s32 $0x1900, s18;
	[sflag:s14] =	ssyncadd.s32 $0xFFFF3800  }
0x20: {  	[hbm4b:s18+s3] =	stream.linear.scatter [tilespmem:s12], [sflag:$0x3], $0xC800, $0x38;
	[tilespmem:$0x1A000] =	vst v63  }
0x21: {  	_ =	swait.ge [sflag:s9], $0xC800  }
0x22: {  	s18 =	simm.s32 $0x3200;
	[sflag:s9] =	ssyncset.done $0x0  }
.LBB2_2:
0x23: {  	p0 =	sne.s32 s18, $0x2BC00;
	[sflag:s9] =	ssyncadd.s32 $0xFFFF3800;
	s17 =	sadd.s32 $0x100, s17  }
0x24: {  	[tilespmem:s12], [sflag:$0x2] =	stream.indirect.gather [hbm4b:s2+s10], $0x400, s17, s10, $0xb8;
	[tilespmem:$0x1A000] =	vst v63  }
0x25: {  	s19 =	smov.u32 s18;
	s18 =	sadd.s32 $0x3200, s18;
	_ =	swait.ge [sflag:s13], $0xC800  }
0x26: {  	[sflag:s13] =	ssyncset.done $0x0  }
0x27: {  	s19 =	sadd.s32 s19, s8;
	[sflag:s13] =	ssyncadd.s32 $0xFFFF3800  }
0x28: {  	[hbm4b:s19+s3] =	stream.linear.scatter [tilespmem:s11], [sflag:$0x3], $0xC800, $0x38;
	[tilespmem:$0x1A000] =	vst v63  }
0x29: {  	_ =	swait.ge [sflag:s9], $0xC800  }
0x2a: {  	[sflag:s9] =	ssyncset.done $0x0  }
0x2b: {  	s20 =	sadd.s32 $0x80, s17;
	[sflag:s9] =	ssyncadd.s32 $0xFFFF3800  }
0x2c: {  	[tilespmem:s11], [sflag:$0x1] =	stream.indirect.gather [hbm4b:s2+s10], $0x400, s20, s10, $0xb8;
	[tilespmem:$0x1A000] =	vst v63  }
0x2d: {  	_ =	swait.ge [sflag:s14], $0xC800  }
.Ltmp0:
0x2e: {  	[sflag:s14] =	ssyncset.done $0x0;
	(pc) =	sbr.rel @p0 .LBB2_2-.Ltmp0, $4  }
0x2f: {  	s19 =	sadd.s32 $0x1900, s19;
	[sflag:s14] =	ssyncadd.s32 $0xFFFF3800  }
0x30: {  	[hbm4b:s19+s3] =	stream.linear.scatter [tilespmem:s12], [sflag:$0x3], $0xC800, $0x38;
	[tilespmem:$0x1A000] =	vst v63  }
0x31: {  	_ =	swait.ge [sflag:s9], $0xC800  }
0x32: {  	[sflag:s9] =	ssyncset.done $0x0  }
0x33: {  	[sflag:s9] =	ssyncadd.s32 $0xFFFF3800  }
0x34: {  	[tilespmem:s12], [sflag:$0x2] =	stream.indirect.gather [hbm4b:s2+s10], $0x400, s15, s10, $0xb8;
	[tilespmem:$0x1A000] =	vst v63  }
0x35: {  	_ =	swait.ge [sflag:s13], $0xC800  }
0x36: {  	[sflag:s13] =	ssyncset.done $0x0  }
0x37: {  	[sflag:s13] =	ssyncadd.s32 $0xFFFF3800  }
0x38: {  	[hbm4b:s6+s3] =	stream.linear.scatter [tilespmem:s11], [sflag:$0x3], $0xC800, $0x38;
	[tilespmem:$0x1A000] =	vst v63  }
0x39: {  	_ =	swait.ge [sflag:s9], $0xC800  }
0x3a: {  	[sflag:s9] =	ssyncset.done $0x0  }
0x3b: {  	[sflag:s9] =	ssyncadd.s32 $0xFFFF3800  }
0x3c: {  	s16 =	sadd.s32 $0x1, s16;
	_ =	swait.ge [sflag:s14], $0xC800  }
0x3d: {  	p0 =	sne.s32 s16, s5;
	[sflag:s14] =	ssyncset.done $0x0  }
.Ltmp1:
0x3e: {  	[sflag:s14] =	ssyncadd.s32 $0xFFFF3800;
	(pc) =	sbr.rel @p0 .LBB2_1-.Ltmp1, $4  }
0x3f: {  	[hbm4b:s7+s3] =	stream.linear.scatter [tilespmem:s12], [sflag:$0x3], $0xC800, $0x38;
	[tilespmem:$0x1A000] =	vst v63  }
0x40: {  	_ =	swait.ge [sflag:s9], $0xC800  }
0x41: {  	[sflag:s9] =	ssyncset.done $0x0  }
0x42: {  	[sflag:s9] =	ssyncadd.s32 $0xFFFF3800  }
0x43: {  	_ =	sfence.sel $0x180000  }
0x44: {  	[bflag:$0x0] =	sbarrier.arrive $0xFFFF  }
0x45: {  	p0 =	sne.s32 s0, $0x0;
	_ =	strace $0x9000004A  }
0x46: {  	s0 =	sadd.s32 @!p0 $0x100000, s1;
	[bflag:$0x2] =	sbarrier.arrive $0xFFFF  }
0x47: {  	[sflag:s0] =	ssyncadd.tile.s32 @!p0 $0x1;
	_ =	shalt  }
.Lfunc_end2:
_tile_overlayer_lowered:
.L_overlay_start_2:
0x48: {  	(tag) =	ssettag $0x2  }
0x49: {  	s0 =	rddreg [dreg:$0x0];
	s2 =	stileid.u32  }
0x4a: {  	s1 =	rddreg [dreg:$0x1];
	p0 =	sne.s32 s2, $0x0  }
0x4b: {  	s3 =	rddreg [dreg:$0x2];
	[bflag:$0x3] =	sbarrier.arrive $0xFFFF;
	s2 =	simm.s32 @!p0 $0x1C03  }
0x4c: {  	[timem:s3], [sflag:s2] =	dma.local @!p0 [hbm:s0], s1  }
0x4d: {  	s0 =	simm.s32 @!p0 $0x3  }
0x4e: {  	_ =	swait.ge @!p0 [sflag:s0], s1  }
0x4f: {  	s1 =	ssub.s32 @!p0 $0x0, s1;
	[sflag:s0] =	ssyncset.done @!p0 $0x0  }
0x50: {  	[sflag:s0] =	ssyncadd.s32 @!p0 s1  }
0x51: {  	[bflag:$0x3] =	sbarrier.arrive $0xFFFF  }
0x52: {  	_ =	shalt  }

// kernel: kernel.9.cloned.1.call-start
scs
__scs_entry_jumppad:
0x0: {  	(pc) =	sbr.rel $0x88, $3  }
0x1: {  	(tag) =	ssettag $0x0;
	lr =	simm.s32 $0x1  }
0x2: {  	[smem:$0x3F9E] =	sst lr;
	_ =	strace $0xD0000000  }
0x3: {  	_ = 	snop  }
0x4: {  	_ = 	snop  }
0x5: {  	_ = 	snop  }
0x6: {  	_ = 	snop  }
0x7: {  	_ = 	snop  }
__scs_overlays_trampoline_lowered:
0x8: {  	[smem:$0x3FAD] =	sst s0  }
0x9: {  	[smem:$0x3FAE] =	sst s1  }
0xa: {  	[smem:$0x3FAF] =	sst s2  }
0xb: {  	[smem:$0x3FB0] =	sst s3  }
0xc: {  	[smem:$0x3FB1] =	sst s4  }
0xd: {  	[smem:$0x3FB2] =	sst s5  }
0xe: {  	[smem:$0x3FB3] =	sst s6  }
0xf: {  	[smem:$0x3FB4] =	sst s7  }
0x10: {  	[smem:$0x3FB5] =	sst s8  }
0x11: {  	[smem:$0x3FB6] =	sst s9;
	s0 =	simm.s32 @!p0 $0x0  }
0x12: {  	s1 =	sld [smem:$0x3F9C];
	s0 =	simm.s32 @p0 $0x1  }
0x13: {  	[smem:$0x3FB7] =	sst s0;
	s0 =	simm.s32 @!p1 $0x0  }
0x14: {  	s2 =	sld [smem:$0x3F9B];
	s0 =	simm.s32 @p1 $0x1  }
0x15: {  	[smem:$0x3FB8] =	sst s0;
	s0 =	simm.s32 @!p2 $0x0  }
0x16: {  	s3 =	sld [smem:$0x3FDB];
	s0 =	simm.s32 @p2 $0x1  }
0x17: {  	s4 =	simm.s32 $0x1BF5;
	[smem:$0x3FBA] =	sst s0  }
0x18: {  	s0 =	sld [smem:$0x3F9D];
	_ =	swait.ge [sflag:s4], $0x0  }
0x19: {  	s7 =	sld [smem:$0x3F9E]  }
0x1a: {  	s8 =	sadd.s32 $0xFFFFE003, lr  }
0x1b: {  	s9 =	sadd.s32 $0xFFFFFEF7, lr;
	s5 =	simm.s32 $0xFFFFFFFF;
	p2 =	slt.u32 s8, $0xFFFFF086  }
0x1c: {  	p1 =	slt.u32 s9, $0xF7A;
	s5 =	simm.s32 @!p2 $0x0  }
0x1d: {  	s5 =	simm.s32 @p1 $0x1;
	p0 =	seq.s32 s7, s2  }
0x1e: {  	s7 =	smul.u32 @!p0 $0xF7A, s2;
	p2 =	seq.s32 @!p0 s5, $0x0  }
0x1f: {  	s9 =	smul.u32 $0xF7A, s1;
	s8 =	simm.s32 @!p0 $0x1BF5;
	p2 =	por !p2, p0  }
0x20: {  	[sflag:s8] =	ssyncset.s32 @!p0 $0xFFFFF086;
	s6 =	sadd.s32 @!p0 s3, s7;
	s7 =	simm.s32 @!p0 $0x108  }
0x21: {  	s3 =	sadd.s32 s3, s9;
	s6 =	sadd.s32 @!p0 $0x88, s6;
	s7 =	simm.s32 @p2 $0x1082  }
0x22: {  	[simem:s7], [sflag:s8] =	dma.local @!p0 [hbm:s6], $0xF7A  }
0x23: {  	s9 =	sor.u32 $0xD0000000, s2;
	s6 =	simm.s32 $0x108;
	_ =	swait.ge @!p0 [sflag:s8], $0x0  }
0x24: {  	s3 =	sadd.s32 $0x88, s3;
	s6 =	simm.s32 @!p1 $0x1082;
	[sflag:s4] =	ssyncset.s32 $0xFFFFF086  }
0x25: {  	[simem:s6], [sflag:s4] =	dma.local [hbm:s3], $0xF7A  }
0x26: {  	[smem:$0x3F9E] =	sst s1;
	(tag) =	ssettag s2;
	_ =	strace s9  }
0x27: {  	s1 =	sld [smem:$0x3FAE]  }
0x28: {  	s2 =	sld [smem:$0x3FAF]  }
0x29: {  	s4 =	sld [smem:$0x3FB1]  }
0x2a: {  	p0 =	seq.s32 s5, $0x0;
	s5 =	sld [smem:$0x3FB2]  }
0x2b: {  	s6 =	sld [smem:$0x3FB3]  }
0x2c: {  	s7 =	sld [smem:$0x3FB4]  }
0x2d: {  	s3 =	simm.s32 $0x108;
	s8 =	sld [smem:$0x3FB5]  }
0x2e: {  	s3 =	simm.s32 @!p0 $0x1082;
	s9 =	sld [smem:$0x3FB6]  }
0x2f: {  	lr =	sadd.s32 s0, s3;
	s0 =	sld [smem:$0x3FAD]  }
0x30: {  	s3 =	sld [smem:$0x3FB0]  }
0x31: {  	[smem:$0x3FB9] =	sst s10  }
0x32: {  	s10 =	sld [smem:$0x3FB7];
	_ =	sdelay $0x3  }
0x33: {  	p0 =	seq.s32 s10, $0x1;
	s10 =	sld [smem:$0x3FB9];
	_ =	sdelay $0x3  }
0x34: {  	[smem:$0x3FB9] =	sst s10  }
0x35: {  	s10 =	sld [smem:$0x3FB8];
	_ =	sdelay $0x3  }
0x36: {  	p1 =	seq.s32 s10, $0x1;
	s10 =	sld [smem:$0x3FB9];
	_ =	sdelay $0x3  }
0x37: {  	[smem:$0x3FB9] =	sst s10  }
0x38: {  	s10 =	sld [smem:$0x3FBA]  }
0x39: {  	_ = 	snop;
	(pc) =	sbr.ind lr, $3  }
0x3a: {  	_ = 	snop  }
0x3b: {  	_ = 	snop  }
0x3c: {  	p2 =	seq.s32 s10, $0x1;
	s10 =	sld [smem:$0x3FB9]  }
0x3d: {  	_ =	shalt  }
0x3e: {  	_ =	shalt  }
0x3f: {  	_ =	shalt  }
0x40: {  	_ =	shalt  }
0x41: {  	_ =	shalt  }
0x42: {  	_ =	shalt  }
0x43: {  	_ =	shalt  }
0x44: {  	_ =	shalt  }
0x45: {  	_ =	shalt  }
0x46: {  	_ =	shalt  }
0x47: {  	_ =	shalt  }
0x48: {  	_ =	shalt  }
0x49: {  	_ =	shalt  }
0x4a: {  	_ =	shalt  }
0x4b: {  	_ =	shalt  }
0x4c: {  	_ =	shalt  }
0x4d: {  	_ =	shalt  }
0x4e: {  	_ =	shalt  }
0x4f: {  	_ =	shalt  }
0x50: {  	_ =	shalt  }
0x51: {  	_ =	shalt  }
0x52: {  	_ =	shalt  }
0x53: {  	_ =	shalt  }
0x54: {  	_ =	shalt  }
0x55: {  	_ =	shalt  }
0x56: {  	_ =	shalt  }
0x57: {  	_ =	shalt  }
0x58: {  	_ =	shalt  }
0x59: {  	_ =	shalt  }
0x5a: {  	_ =	shalt  }
0x5b: {  	_ =	shalt  }
0x5c: {  	_ =	shalt  }
0x5d: {  	_ =	shalt  }
0x5e: {  	_ =	shalt  }
0x5f: {  	_ =	shalt  }
0x60: {  	_ =	shalt  }
0x61: {  	_ =	shalt  }
0x62: {  	_ =	shalt  }
0x63: {  	_ =	shalt  }
0x64: {  	_ =	shalt  }
0x65: {  	_ =	shalt  }
0x66: {  	_ =	shalt  }
0x67: {  	_ =	shalt  }
0x68: {  	_ =	shalt  }
0x69: {  	_ =	shalt  }
0x6a: {  	_ =	shalt  }
0x6b: {  	_ =	shalt  }
0x6c: {  	_ =	shalt  }
0x6d: {  	_ =	shalt  }
0x6e: {  	_ =	shalt  }
0x6f: {  	_ =	shalt  }
0x70: {  	_ =	shalt  }
0x71: {  	_ =	shalt  }
0x72: {  	_ =	shalt  }
0x73: {  	_ =	shalt  }
0x74: {  	_ =	shalt  }
0x75: {  	_ =	shalt  }
0x76: {  	_ =	shalt  }
0x77: {  	_ =	shalt  }
0x78: {  	_ =	shalt  }
0x79: {  	_ =	shalt  }
0x7a: {  	_ =	shalt  }
0x7b: {  	_ =	shalt  }
0x7c: {  	_ =	shalt  }
0x7d: {  	_ =	shalt  }
0x7e: {  	_ =	shalt  }
0x7f: {  	_ =	shalt  }
0x80: {  	_ =	shalt  }
0x81: {  	_ =	shalt  }
0x82: {  	_ =	shalt  }
0x83: {  	_ =	shalt  }
0x84: {  	_ =	shalt  }
0x85: {  	_ =	shalt  }
0x86: {  	_ =	shalt  }
0x87: {  	_ =	shalt  }
.Lfunc_end0:
.L_simem_size_0:
called_computation.1_lowered:
.L_overlay_start_0:
0x88: {  	s2 =	sld [smem:$0x3FD9]  }
0x89: {  	s3 =	sld [smem:$0x3FFE];
	_ =	sdelay $0x1  }
0x8a: {  	s1 =	srdreg.scid  }
0x8b: {  	s0 =	sand.u32 $0x1, s1  }
0x8c: {  	s16 =	sshll.u32 s0, $0xA;
	s2 =	sadd.s32 s3, s2  }
0x8d: {  	s2 =	sadd.s32 s2, s16  }
0x8e: {  	[smem:$0x3FC5] =	sst s2  }
0x8f: {  	_ = 	snop  }
0x90: {  	(tm) =	ssettm $0x1  }
0x91: {  	s17 =	sld [smem:$0x3FFB];
	_ =	sdelay $0x3  }
0x92: {  	_ =	strace s17  }
0x93: {  	s2 =	sld [smem:$0x3FFC];
	_ =	sdelay $0x3  }
0x94: {  	_ =	strace s2  }
0x95: {  	s2 =	sld [smem:$0x3FFD];
	_ =	sdelay $0x3  }
0x96: {  	_ =	strace s2  }
0x97: {  	_ =	strace $0x8FFFFFFF  }
0x98: {  	s18 =	sld [smem:$0x3FDB];
	_ =	sdelay $0x1  }
0x99: {  	s19 =	simm.s32 $_scs_section_size  }
0x9a: {  	s4 =	simm.s32 $_size__tile_overlayer_lowered;
	s5 =	simm.s32 $_tile_overlayer_lowered  }
0x9b: {  	s22 =	simm.s32 $0x1BFF;
	s21 =	sshll.u32 s5, $0x1;
	s2 =	sadd.s32 s19, s18  }
0x9c: {  	s6 =	simm.s32 $0x0;
	s20 =	sshll.u32 s4, $0x1;
	s4 =	sadd.s32 s21, s2  }
0x9d: {  	[timem:s6], [sflag:s22] =	dma.local [hbm:s4], s20  }
0x9e: {  	_ =	swait.ge [sflag:s22], s20  }
0x9f: {  	s3 =	ssub.s32 $0x0, s20;
	[sflag:s22] =	ssyncset.done $0x0  }
0xa0: {  	[sflag:s22] =	ssyncadd.s32 s3;
	_ =	sdelay $0x1  }
0xa1: {  	s23 =	simm.s32 $0x1B8B  }
0xa2: {  	_ =	swait.ge [sflag:s23], $0x1  }
0xa3: {  	[sflag:s23] =	ssyncset.done $0x0  }
0xa4: {  	s25 =	simm.s32 $0x1B8E;
	s24 =	sld [smem:$0x3FFE];
	[sflag:s23] =	ssyncadd.s32 $0xFFFFFFFF  }
0xa5: {  	s26 =	simm.s32 $execute0_lowered;
	[smem:$0x3FD2] =	sst s25  }
0xa6: {  	s4 =	sshll.u32 s26, $0x1;
	_ =	strace $0x80000046;
	[dreg:$0x1] =	wrdreg $0xFFFFFFFF  }
0xa7: {  	s28 =	simm.s32 $_size_execute0_lowered;
	s2 =	sadd.s32 s2, s4;
	[dreg:$0x0] =	wrdreg $0x0  }
0xa8: {  	s4 =	sshll.u32 s28, $0x1;
	[dreg:$0x2] =	wrdreg s2  }
0xa9: {  	[dreg:$0x3] =	wrdreg s4  }
0xaa: {  	[dreg:$0x4] =	wrdreg $0xC0  }
0xab: {  	_ =	task [dreg:s6], $0x5FFFF  }
0xac: {  	[dreg:$0x1] =	wrdreg $0xFFFFFFFF  }
0xad: {  	[dreg:$0x0] =	wrdreg $0x60  }
0xae: {  	[dreg:$0x2] =	wrdreg s24  }
0xaf: {  	[dreg:$0x3] =	wrdreg $0xA  }
0xb0: {  	_ =	task.clear_ibuf [dreg:s6], $0x4FFFF;
	_ =	strace $0x90000046  }
0xb1: {  	s29 =	simm.s32 $0xA;
	_ =	strace $0x80000048  }
0xb2: {  	_ =	swait.ge [sflag:s29], $0x1  }
0xb3: {  	[sflag:s29] =	ssyncadd.s32 $0xFFFFFFFF  }
0xb4: {  	_ =	strace $0x90000048  }
0xb5: {  	_ =	sfence  }
0xb6: {  	s30 =	sld [smem:$0x0];
	_ =	sdelay $0x2  }
0xb7: {  	s31 =	sshll.u32 s1, $0xD;
	s1 =	sshrl.u32 s1, $0x2  }
0xb8: {  	s3 =	sand.u32 $0x4000, s31;
	s1 =	sadd.s32 s1, s30  }
0xb9: {  	s0 =	sor.u32 s3, s0;
	s1 =	sshll.u32 s1, $0x11  }
0xba: {  	s0 =	sor.u32 s1, s0  }
0xbb: {  	s0 =	sadd.s32 $0x8F2B, s0  }
0xbc: {  	[sflag:s0] =	ssyncadd.remote.s32 $0x1  }
0xbd: {  	_ =	sfence.sel $0xFFFF  }
0xbe: {  	[dreg:$0x0] =	wrdreg $0xFFFFFFFF;
	(pc) =	sbr.abs _section_cstart, $3  }
0xbf: {  	[dreg:$0x1] =	wrdreg $0xFFFFFFFF  }
0xc0: {  	_ =	task.clear_ibuf [dreg:s6], $0x2FFFF;
	_ =	strace $0x9FFFFFFF  }
0xc1: {  	(tm) =	ssettm $0x7FFFFFFF  }
tec
execute0_lowered:
.L_overlay_start_1:
0x0: {  	(tag) =	ssettag $0x1  }
0x1: {  	s1 =	srdreg.scid  }
0x2: {  	s0 =	stileid.u32;
	s4 =	rddreg [dreg:$0x0];
	s2 =	simm.s32 $0x0  }
0x3: {  	s9 =	simm.s32 $0x700;
	s10 =	simm.s32 $0x32;
	s11 =	simm.s32 $0x1  }
0x4: {  	s12 =	simm.s32 $0x1C00;
	s5 =	sand.u32 $0x1, s1;
	s3 =	sshll.u32 s0, $0x1  }
0x5: {  	s13 =	simm.s32 $0x0;
	[smem:$0x7FF] =	sst s2;
	s6 =	sor.u32 s5, s3  }
0x6: {  	s1 =	rddreg [dreg:$0x1];
	_ =	strace $0x80000047;
	s7 =	smul.u32 $0xE0, s6  }
0x7: {  	s3 =	sadd.s32 $0x8000, s4;
	s5 =	ssub.s32 $0x2, s5;
	s6 =	sshll.u32 s6, $0x1  }
0x8: {  	s8 =	sshrl.u32 s5, $0x1;
	s6 =	sadd.s32 s6, s4;
	s7 =	sadd.s32 s7, s4  }
0x9: {  	s8 =	ssub.s32 s5, s8;
	s6 =	sadd.s32 $0x26A00, s6;
	s4 =	sadd.s32 $0x4800, s7  }
0xa: {  	vm0 =	vmmov $0x3fff;
	s5 =	sadd.s32 $0x6400, s7;
	s7 =	smax.u32 s8, $0x1;
	s8 =	simm.s32 $0x2  }
.LBB2_1:
0xb: {  	[tilespmem:s2], [sflag:$0x2] =	stream.linear.gather [hbm4b:s4+s2], $0x700, $0x38;
	[tilespmem:$0x1C10] =	vst v63  }
0xc: {  	_ =	swait.ge [sflag:s8], $0x700  }
0xd: {  	[sflag:s8] =	ssyncset.done $0x0  }
0xe: {  	[sflag:s8] =	ssyncadd.s32 $0xFFFFF900  }
0xf: {  	[tilespmem:s9], [sflag:$0x2] =	stream.linear.gather [hbm4b:s5+s2], $0x700, $0x38;
	[tilespmem:$0x1C10] =	vst v63  }
0x10: {  	_ =	swait.ge [sflag:s8], $0x700  }
0x11: {  	[sflag:s8] =	ssyncset.done $0x0  }
0x12: {  	s14 =	simm.s32 $0x0;
	[sflag:s8] =	ssyncadd.s32 $0xFFFFF900  }
0x13: {  	v1 =	vld [tilespmem:s14+$0x20]  }
0x14: {  	v4 =	vld [tilespmem:s14+$0x22]  }
0x15: {  	v5 =	vld [tilespmem:s14+$0x720]  }
0x16: {  	v6 =	vld [tilespmem:s14+$0x722]  }
0x17: {  	v2 =	vld [tilespmem:s14+$0x0]  }
0x18: {  	v0 =	vld [tilespmem:s14+$0x10];
	v1 =	vmul.u32 $0x3E8, v1  }
0x19: {  	v3 =	vld [tilespmem:s14+$0x700];
	v7 =	vmul.u32 $0x3E8, v4  }
0x1a: {  	s15 =	simm.s32 $0x38;
	v4 =	vld [tilespmem:s14+$0x710];
	v5 =	vadd.s32 v5, v1  }
0x1b: {  	s16 =	simm.s32 $0x1C0;
	v1 =	vld [tilespmem:s15+$0x20];
	[tilespmem:s14+$0xE20] =	vst v5;
	v5 =	vadd.s32 v6, v7  }
.LBB2_2:
0x1c: {  	p0 =	sne.s32 s16, $0x1B20;
	v6 =	vld [tilespmem:s15+$0x22];
	v2 =	vmul.u32 $0x3E8, v2;
	[tilespmem:s14+$0xE22] =	vst v5  }
0x1d: {  	v5 =	vld [tilespmem:s15+$0x720];
	v0 =	vmul.u32 $0x3E8, v0  }
0x1e: {  	v7 =	vld [tilespmem:s15+$0x722];
	v3 =	vadd.s32 v3, v2  }
.Ltmp0:
0x1f: {  	v2 =	vld [tilespmem:s15+$0x0];
	[tilespmem:s14+$0xE00] =	vst v3;
	v3 =	vadd.s32 v4, v0;
	(pc) =	sbr.rel @p0 .LBB2_2-.Ltmp0, $4  }
0x20: {  	v0 =	vld [tilespmem:s15+$0x10];
	v1 =	vmul.u32 $0x3E8, v1;
	[tilespmem:s14+$0xE10] =	vst v3;
	s14 =	smov.u32 s15  }
0x21: {  	v3 =	vld [tilespmem:s14+$0x700];
	v6 =	vmul.u32 $0x3E8, v6  }
0x22: {  	s15 =	sshra.s32 s16, $0x2;
	v4 =	vld [tilespmem:s14+$0x710];
	v5 =	vadd.s32 v5, v1  }
0x23: {  	s16 =	sadd.s32 $0xE0, s16;
	v1 =	vld [tilespmem:s15+$0x20];
	[tilespmem:s14+$0xE20] =	vst v5;
	v5 =	vadd.s32 v7, v6  }
0x24: {  	v6 =	vld [tilespmem:s15+$0x22];
	[tilespmem:s14+$0xE22] =	vst v5;
	v2 =	vmul.u32 $0x3E8, v2  }
0x25: {  	v5 =	vld [tilespmem:s15+$0x720];
	v0 =	vmul.u32 $0x3E8, v0  }
0x26: {  	v7 =	vld [tilespmem:s15+$0x722];
	v2 =	vadd.s32 v3, v2  }
0x27: {  	v60 =	vld [tilespmem:s15+$0x0];
	[tilespmem:s14+$0xE00] =	vst v2;
	v0 =	vadd.s32 v4, v0  }
0x28: {  	v2 =	vld [tilespmem:s15+$0x10];
	[tilespmem:s14+$0xE10] =	vst v0  }
0x29: {  	v0 =	vld [tilespmem:s15+$0x700]  }
0x2a: {  	v1 =	vmul.u32 $0x3E8, v1;
	v61 =	vld [tilespmem:s15+$0x710]  }
0x2b: {  	v6 =	vmul.u32 $0x3E8, v6  }
0x2c: {  	v1 =	vadd.s32 v5, v1;
	v3 =	vmul.u32 $0x3E8, v60  }
0x2d: {  	[tilespmem:s15+$0xE20] =	vst v1;
	v62 =	vadd.s32 v7, v6;
	v2 =	vmul.u32 $0x3E8, v2  }
0x2e: {  	[tilespmem:s15+$0xE22] =	vst v62;
	v0 =	vadd.s32 v0, v3  }
0x2f: {  	[tilespmem:s15+$0xE00] =	vst v0;
	v63 =	vadd.s32 v61, v2  }
0x30: {  	s16 =	simm.s32 $0xE00;
	s14 =	simm.s32 $0xE0;
	[tilespmem:s15+$0xE10] =	vst v63;
	s15 =	simm.s32 $0x1500  }
.LBB2_4:
0x31: {  	[tilespmem:s15], [sflag:$0x1] =	stream.indirect.gather [hbm4b:s3+s10], $0x1, s16, s10, $0xb8;
	[tilespmem:$0x1C10] =	vst v63  }
0x32: {  	s15 =	smov.u32 s14;
	p0 =	sne.s32 s14, $0x1B20  }
.Ltmp1:
0x33: {  	s14 =	sadd.s32 $0xE0, s14;
	(pc) =	sbr.rel @p0 .LBB2_4-.Ltmp1, $3  }
0x34: {  	_ =	sdelay $0x1  }
0x35: {  	s16 =	sshra.s32 s15, $0x2  }
0x36: {  	s15 =	sadd.s32 $0x1500, s16;
	s16 =	sadd.s32 $0xE00, s16  }
0x37: {  	[tilespmem:s15], [sflag:$0x1] =	stream.indirect.gather [hbm4b:s3+s10], $0x1, s16, s10, $0xb8;
	v0 =	vimm.f32 $0.0e+00;
	[tilespmem:$0x1C10] =	vst v63  }
0x38: {  	[tilespmem:$0x1C00] =	vst v0  }
0x39: {  	_ =	swait.ge [sflag:s11], $0x32  }
0x3a: {  	[sflag:s11] =	ssyncset.done $0x0  }
0x3b: {  	s14 =	simm.s32 $0x0;
	[sflag:s11] =	ssyncadd.s32 $0xFFFFFFCE  }
0x3c: {  	v1 =	vld [tilespmem:s14+$0x1500];
	_ =	sdelay $0x4  }
0x3d: {  	v0 =	vadd.f32 v0, v1;
	_ =	sdelay $0x1  }
0x3e: {  	[tilespmem:$0x1C00] =	vst v0  }
0x3f: {  	v1 =	vld [tilespmem:s14+$0x1510];
	_ =	sdelay $0x4  }
0x40: {  	v0 =	vadd.f32 v1, v0;
	_ =	sdelay $0x1  }
0x41: {  	[tilespmem:$0x1C00] =	vst v0  }
0x42: {  	v1 =	vld [tilespmem:s14+$0x1520];
	_ =	sdelay $0x4  }
0x43: {  	v0 =	vadd.f32 v1, v0;
	_ =	sdelay $0x1  }
0x44: {  	[tilespmem:$0x1C00] =	vst v0  }
0x45: {  	v1 =	vld [tilespmem:s14+$0x1522];
	_ =	sdelay $0x4  }
0x46: {  	v1 =	vsel vm0, $0x0, v1  }
0x47: {  	s14 =	simm.s32 $0xE0;
	v0 =	vadd.f32 v1, v0  }
.LBB2_6:
0x48: {  	_ = 	snop  }
0x49: {  	p0 =	sne.s32 s14, $0x1B20;
	s15 =	smov.u32 s14;
	s14 =	sadd.s32 $0xE0, s14;
	[tilespmem:$0x1C00] =	vst v0  }
0x4a: {  	_ =	swait.ge [sflag:s11], $0x32  }
0x4b: {  	[sflag:s11] =	ssyncset.done $0x0  }
0x4c: {  	s15 =	sshra.s32 s15, $0x2;
	[sflag:s11] =	ssyncadd.s32 $0xFFFFFFCE  }
0x4d: {  	v1 =	vld [tilespmem:s15+$0x1500];
	_ =	sdelay $0x4  }
0x4e: {  	v0 =	vadd.f32 v0, v1;
	_ =	sdelay $0x1  }
0x4f: {  	[tilespmem:$0x1C00] =	vst v0  }
0x50: {  	v1 =	vld [tilespmem:s15+$0x1510];
	_ =	sdelay $0x4  }
0x51: {  	v0 =	vadd.f32 v1, v0;
	_ =	sdelay $0x1  }
0x52: {  	[tilespmem:$0x1C00] =	vst v0  }
0x53: {  	v1 =	vld [tilespmem:s15+$0x1520];
	_ =	sdelay $0x4  }
0x54: {  	v0 =	vadd.f32 v1, v0;
	_ =	sdelay $0x1  }
0x55: {  	[tilespmem:$0x1C00] =	vst v0  }
0x56: {  	v1 =	vld [tilespmem:s15+$0x1522];
	_ =	sdelay $0x1  }
.Ltmp2:
0x57: {  	(pc) =	sbr.rel @p0 .LBB2_6-.Ltmp2, $3  }
0x58: {  	_ =	sdelay $0x1  }
0x59: {  	v1 =	vsel vm0, $0x0, v1  }
0x5a: {  	v0 =	vadd.f32 v1, v0  }
0x5b: {  	s13 =	sadd.s32 $0x1, s13  }
0x5c: {  	p0 =	sne.s32 s13, s7  }
.Ltmp3:
0x5d: {  	[tilespmem:$0x1C00] =	vst v0;
	(pc) =	sbr.rel @p0 .LBB2_1-.Ltmp3, $4  }
0x5e: {  	[hbm4b:s6+s2] =	stream.linear.scatter [tilespmem:s12], [sflag:$0x2], $0x10, $0x38;
	[tilespmem:$0x1C10] =	vst v63  }
0x5f: {  	_ =	swait.ge [sflag:s8], $0x10  }
0x60: {  	[sflag:s8] =	ssyncset.done $0x0  }
0x61: {  	[sflag:s8] =	ssyncadd.s32 $0xFFFFFFF0  }
0x62: {  	_ =	sfence.sel $0x180000  }
0x63: {  	[bflag:$0x0] =	sbarrier.arrive $0xFFFF  }
0x64: {  	p0 =	sne.s32 s0, $0x0;
	_ =	strace $0x90000047  }
0x65: {  	s0 =	sadd.s32 @!p0 $0x100000, s1;
	[bflag:$0x2] =	sbarrier.arrive $0xFFFF  }
0x66: {  	[sflag:s0] =	ssyncadd.tile.s32 @!p0 $0x1;
	_ =	shalt  }
.Lfunc_end2:
_tile_overlayer_lowered:
.L_overlay_start_2:
0x67: {  	(tag) =	ssettag $0x2  }
0x68: {  	s0 =	rddreg [dreg:$0x0];
	s2 =	stileid.u32  }
0x69: {  	s1 =	rddreg [dreg:$0x1];
	p0 =	sne.s32 s2, $0x0  }
0x6a: {  	s3 =	rddreg [dreg:$0x2];
	[bflag:$0x3] =	sbarrier.arrive $0xFFFF;
	s2 =	simm.s32 @!p0 $0x1C02  }
0x6b: {  	[timem:s3], [sflag:s2] =	dma.local @!p0 [hbm:s0], s1  }
0x6c: {  	s0 =	simm.s32 @!p0 $0x2  }
0x6d: {  	_ =	swait.ge @!p0 [sflag:s0], s1  }
0x6e: {  	s1 =	ssub.s32 @!p0 $0x0, s1;
	[sflag:s0] =	ssyncset.done @!p0 $0x0  }
0x6f: {  	[sflag:s0] =	ssyncadd.s32 @!p0 s1  }
0x70: {  	[bflag:$0x3] =	sbarrier.arrive $0xFFFF  }
0x71: {  	_ =	shalt  }

</sc_bundles>
